<compile_context>
chip_gen: v7x
topology: tpu7x:2x2x1
jax: 0.10.2.dev20260603
libtpu: 0.0.44.dev20260713+nightly
codegen_flags: <defaults>
</compile_context>

<pallas_src>
import functools

import jax
import jax.numpy as jnp
from jax import lax
from jax.experimental import pallas as pl
from jax.experimental.pallas import tpu as pltpu
from jax.experimental.pallas import tpu_sc as plsc

NUM_WORKERS = 32
LANES = 16


def _gather_rows_pipelined(tbl_ref, idx_ref, out_ref, base, nchunks,
                           buf0, buf1, gsem0, gsem1, wsem0, wsem1,
                           out_pos=None):
    if out_pos is None:
        out_pos = lambda c: base + c * 128

    def fire_g(c, buf, sem):
        pltpu.async_copy(tbl_ref.at[idx_ref.at[pl.ds(c * 128, 128)]],
                         buf, sem)

    def wait_g(buf, sem):
        pltpu.make_async_copy(tbl_ref.at[pl.ds(0, 128)], buf, sem).wait()

    def fire_w(c, buf, sem):
        pltpu.async_copy(buf, out_ref.at[pl.ds(out_pos(c), 128)], sem)

    def wait_w(c, buf, sem):
        pltpu.make_async_copy(buf, out_ref.at[pl.ds(out_pos(c), 128)],
                              sem).wait()

    fire_g(0, buf0, gsem0)
    fire_g(1, buf1, gsem1)

    def body(i, carry):
        c = i * 2
        wait_g(buf0, gsem0)
        fire_w(c, buf0, wsem0)
        wait_g(buf1, gsem1)
        fire_w(c + 1, buf1, wsem1)

        @pl.when(c + 2 < nchunks)
        def _next0():
            wait_w(c, buf0, wsem0)
            fire_g(c + 2, buf0, gsem0)

        @pl.when(c + 3 < nchunks)
        def _next1():
            wait_w(c + 1, buf1, wsem1)
            fire_g(c + 3, buf1, gsem1)

        @pl.when(c + 2 >= nchunks)
        def _drain0():
            wait_w(c, buf0, wsem0)

        @pl.when(c + 3 >= nchunks)
        def _drain1():
            wait_w(c + 1, buf1, wsem1)

        return carry

    lax.fori_loop(0, nchunks // 2, body, 0, unroll=False)


def _make_gather_kernel(B, T, D, NI, NU):
    n_rows = B * T
    per_w = n_rows // NUM_WORKERS
    n_chunks = per_w // 128
    u_per_w = B // NUM_WORKERS
    u_chunks = u_per_w // 128
    mesh = plsc.VectorSubcoreMesh(core_axis_name="c", subcore_axis_name="s")

    @functools.partial(
        pl.kernel,
        out_type=[
            jax.ShapeDtypeStruct((n_rows, D), jnp.float32),
            jax.ShapeDtypeStruct((B, D), jnp.float32),
        ],
        mesh=mesh,
        scratch_types=[
            pltpu.VMEM((per_w,), jnp.int32),
            pltpu.VMEM((u_per_w,), jnp.int32),
            pltpu.VMEM((128, D), jnp.float32),
            pltpu.VMEM((128, D), jnp.float32),
            pltpu.SemaphoreType.DMA,
            pltpu.SemaphoreType.DMA,
            pltpu.SemaphoreType.DMA,
            pltpu.SemaphoreType.DMA,
        ],
    )
    def gather_kernel(g_hbm, ut_hbm, nidx_hbm, nodes_hbm, nf_hbm, u_hbm,
                      idx_v, uidx_v, buf0, buf1, gs0, gs1, ws0, ws1):
        wid = lax.axis_index("s") * 2 + lax.axis_index("c")
        pltpu.sync_copy(nidx_hbm.at[pl.ds(wid * per_w, per_w)], idx_v)
        _gather_rows_pipelined(g_hbm, idx_v, nf_hbm, wid * per_w, n_chunks,
                               buf0, buf1, gs0, gs1, ws0, ws1)
        pltpu.sync_copy(nodes_hbm.at[pl.ds(wid * u_per_w, u_per_w)], uidx_v)
        _gather_rows_pipelined(ut_hbm, uidx_v, u_hbm, wid * u_per_w, u_chunks,
                               buf0, buf1, gs0, gs1, ws0, ws1)

    return gather_kernel


def _attn_body(T, BB, u_ref, nf3_ref, nfe_ref, wu_ref, bu_ref, wi_ref,
               bi_ref, w1a_ref, w1b_ref, b1_ref, w2_ref, fea_ref, e2_ref):
    pid = pl.program_id(0)
    D = u_ref.shape[1]

    @pl.when(pid == 0)
    def _zero_block():
        e2_ref[...] = jnp.zeros_like(e2_ref)

    @pl.when(pid > 0)
    def _compute():
        u = u_ref[...]
        wi = wi_ref[...]
        bi = bi_ref[...]
        w1a = w1a_ref[...]
        nfea = (
            jnp.dot(u, wu_ref[...], preferred_element_type=jnp.float32)
            + bu_ref[...]
        )
        fea_ref[...] = nfea
        node_repr = nfea + nfe_ref[...]
        base = (
            jnp.dot(node_repr, w1b_ref[...], preferred_element_type=jnp.float32)
            + b1_ref[...]
            + jnp.dot(bi, w1a, preferred_element_type=jnp.float32)
        )
        w1a_eff = jnp.dot(wi, w1a, preferred_element_type=jnp.float32)
        w2 = w2_ref[...]
        nf_flat = nf3_ref[...].reshape(T * BB, D)
        base_rep = jnp.broadcast_to(base[None], (T, BB, D)).reshape(T * BB, D)
        h = jnp.maximum(
            jnp.dot(nf_flat, w1a_eff, preferred_element_type=jnp.float32)
            + base_rep,
            0.0,
        )
        rows = []
        for t in range(T):
            rows.append(
                lax.dot_general(w2, h[t * BB:(t + 1) * BB],
                                (((1,), (1,)), ((), ())),
                                preferred_element_type=jnp.float32)
            )
        logits = jnp.concatenate(rows, axis=0)
        m = jnp.max(logits, axis=0, keepdims=True)
        e = jnp.exp(logits - m)
        att = e / jnp.sum(e, axis=0, keepdims=True)
        eye = (
            lax.broadcasted_iota(jnp.int32, (T, T), 0)
            == lax.broadcasted_iota(jnp.int32, (T, T), 1)
        ).astype(jnp.float32)
        att_t = lax.dot_general(att, eye, (((0,), (0,)), ((), ())),
                                preferred_element_type=jnp.float32)
        acc = att_t[:, 0:1] * nf3_ref[0]
        for t in range(1, T):
            acc = acc + att_t[:, t:t + 1] * nf3_ref[t]
        e2_ref[...] = (
            jnp.dot(acc, wi, preferred_element_type=jnp.float32) + bi
        )


def _attention(U, NF3, n_feature, Wu, bu, Wi, bi, att_W1, att_b1, att_W2, BB):
    B, D = U.shape
    T = NF3.shape[0]
    nblk = B // BB
    grid = nblk + 1

    def shifted(i):
        return jnp.maximum(i - 1, 0)

    body = functools.partial(_attn_body, T, BB)
    return pl.pallas_call(
        body,
        grid=(grid,),
        in_specs=[
            pl.BlockSpec((BB, D), lambda i: (shifted(i), 0)),
            pl.BlockSpec((T, BB, D), lambda i: (0, shifted(i), 0)),
            pl.BlockSpec((BB, D), lambda i: (shifted(i), 0)),
            pl.BlockSpec((D, D), lambda i: (0, 0)),
            pl.BlockSpec((1, D), lambda i: (0, 0)),
            pl.BlockSpec((D, D), lambda i: (0, 0)),
            pl.BlockSpec((1, D), lambda i: (0, 0)),
            pl.BlockSpec((D, D), lambda i: (0, 0)),
            pl.BlockSpec((D, D), lambda i: (0, 0)),
            pl.BlockSpec((1, D), lambda i: (0, 0)),
            pl.BlockSpec((1, D), lambda i: (0, 0)),
        ],
        out_specs=[
            pl.BlockSpec((BB, D), lambda i: (shifted(i), 0)),
            pl.BlockSpec((BB, D), lambda i: (i, 0)),
        ],
        out_shape=[
            jax.ShapeDtypeStruct((B, D), jnp.float32),
            jax.ShapeDtypeStruct((B + BB, D), jnp.float32),
        ],
    )(
        U, NF3, n_feature, Wu, bu.reshape(1, D),
        Wi, bi.reshape(1, D),
        att_W1[:D], att_W1[D:], att_b1.reshape(1, D),
        att_W2.reshape(1, D),
    )


def _make_scatter_kernel(B, D, NU, BB, H, E2_ROWS):
    n_chunks = NU // 128
    tail = NU - n_chunks * 128
    max_lc = n_chunks // NUM_WORKERS + 1
    slab = max_lc * 128
    n_batches = B // LANES
    init_steps = slab // LANES
    mesh = plsc.VectorSubcoreMesh(core_axis_name="c", subcore_axis_name="s")

    @functools.partial(
        pl.kernel,
        out_type=jax.ShapeDtypeStruct((NU, D), jnp.float32),
        mesh=mesh,
        name="sc_scatter",
        scratch_types=[
            pltpu.VMEM((B,), jnp.int32),
            pltpu.VMEM((slab,), jnp.int32),
            pltpu.VMEM((128, D), jnp.float32),
            pltpu.VMEM((128, D), jnp.float32),
            pltpu.SemaphoreType.DMA,
            pltpu.SemaphoreType.DMA,
            pltpu.SemaphoreType.DMA,
            pltpu.SemaphoreType.DMA,
        ],
        compiler_params=pltpu.CompilerParams(needs_layout_passes=False),
    )
    def scatter_kernel(nodes_hbm, e2_hbm, out_hbm, nodes_v, slot_v,
                       buf, buf1, sem, gs1, ws0, ws1):
        wid = lax.axis_index("s") * 2 + lax.axis_index("c")
        pltpu.sync_copy(nodes_hbm, nodes_v)

        lane = lax.iota(jnp.int32, LANES)

        def init(i, carry):
            slot_v[pl.ds(i * LANES, LANES)] = (i * LANES + lane) & (BB - 1)
            return carry

        lax.fori_loop(0, init_steps, init, 0)

        def build(b, carry):
            nv = nodes_v[pl.ds(b * LANES, LANES)]
            mask = ((nv >> 7) & (NUM_WORKERS - 1)) == wid
            local = ((nv >> 12) << 7) | (nv & 127)
            jv = b * LANES + lane
            vals = jv + BB + jnp.where(jv >= H, BB, 0)
            plsc.store_scatter(slot_v, [local], vals, mask=mask)
            return carry

        lax.fori_loop(0, n_batches, build, 0)

        _gather_rows_pipelined(
            e2_hbm, slot_v, out_hbm, 0, max_lc - 1,
            buf, buf1, sem, gs1, ws0, ws1,
            out_pos=lambda lc: (lc * NUM_WORKERS + wid) * 128)

        lc = max_lc - 1
        gc = lc * NUM_WORKERS + wid

        @pl.when(gc < n_chunks)
        def _full():
            sl = slot_v.at[pl.ds(lc * 128, 128)]
            pltpu.async_copy(e2_hbm.at[sl], buf, sem).wait()
            pltpu.sync_copy(buf, out_hbm.at[pl.ds(gc * 128, 128)])

        @pl.when(gc == n_chunks)
        def _tail():
            sl = slot_v.at[pl.ds(lc * 128, tail)]
            bt = buf.at[pl.ds(0, tail)]
            pltpu.async_copy(e2_hbm.at[sl], bt, sem).wait()
            pltpu.sync_copy(bt, out_hbm.at[pl.ds(gc * 128, tail)])

    return scatter_kernel


def kernel(nodes, n_feature, neigh_idx, u_table, i_table,
           Wu, bu, Wi, bi, att_W1, att_b1, att_W2, att_b2):
    B, T = neigh_idx.shape
    NU, DF = u_table.shape
    NI = i_table.shape[0]
    D = Wu.shape[1]
    BB = 512

    H = B // 2
    gather = _make_gather_kernel(H, T, D, NI, NU)
    feas, e2s = [], []
    for h in range(2):
        sl = slice(h * H, (h + 1) * H)
        nidx_t = neigh_idx[sl].T.reshape(-1)
        NF, U = gather(i_table, u_table, nidx_t, nodes[sl])
        fea_h, e2_h = _attention(U, NF.reshape(T, H, D), n_feature[sl],
                                 Wu, bu, Wi, bi, att_W1, att_b1, att_W2, BB)
        feas.append(fea_h)
        e2s.append(e2_h)
    nodes_fea = jnp.concatenate(feas, axis=0)
    E2 = jnp.concatenate(e2s, axis=0)

    embed_matrix = _make_scatter_kernel(B, D, NU, BB, H, E2.shape[0])(
        nodes, E2)

    return (nodes_fea, embed_matrix)

# --- scband reference (transcript-rebuilt; emitter-appended) ---
"""Pipeline reference for scband-aggregator-14345190769249 (READ-ONLY COPY).

The authoritative reference and input builder live on the scoring server;
editing this copy changes nothing except your own understanding.
"""

import jax, jax.numpy as jnp
import numpy as np

NU = 100000   # u_feature.num_embeddings
NI = 100000   # i_feature.num_embeddings
DF = 128      # embedding_dim of feature tables
D  = 128      # embed_dim (output)
B  = 16384    # batch of seed nodes
T  = 24       # threshold (is_user=True) -> sampled neighbor count


def setup_inputs(seed: int = 0) -> dict:
    key = jax.random.key(seed)
    ks = jax.random.split(key, 13)
    nodes = jax.random.randint(ks[0], (B,), 0, NU, dtype=jnp.int32)
    n_feature = jax.random.normal(ks[1], (B, D), dtype=jnp.float32)
    # adjacency after a_res reservoir sampling: T=24 item neighbors per seed user node
    neigh_idx = jax.random.randint(ks[2], (B, T), 0, NI, dtype=jnp.int32)
    # learned parameters
    u_table = jax.random.normal(ks[3], (NU, DF), dtype=jnp.float32) * 0.02
    i_table = jax.random.normal(ks[4], (NI, DF), dtype=jnp.float32) * 0.02
    # L0Dense layers (eval mode: gates ~ identity -> plain linear)
    Wu = jax.random.normal(ks[5], (DF, D), dtype=jnp.float32) * (1.0 / np.sqrt(DF))
    bu = jnp.zeros((D,), dtype=jnp.float32)
    Wi = jax.random.normal(ks[6], (DF, D), dtype=jnp.float32) * (1.0 / np.sqrt(DF))
    bi = jnp.zeros((D,), dtype=jnp.float32)
    # attention MLP: concat(neigh, node) -> D -> 1, softmax over neighbors
    att_W1 = jax.random.normal(ks[7], (2 * D, D), dtype=jnp.float32) * (1.0 / np.sqrt(2 * D))
    att_b1 = jnp.zeros((D,), dtype=jnp.float32)
    att_W2 = jax.random.normal(ks[8], (D, 1), dtype=jnp.float32) * (1.0 / np.sqrt(D))
    att_b2 = jnp.zeros((1,), dtype=jnp.float32)
    return {"nodes": nodes, "n_feature": n_feature, "neigh_idx": neigh_idx,
            "u_table": u_table, "i_table": i_table,
            "Wu": Wu, "bu": bu, "Wi": Wi, "bi": bi,
            "att_W1": att_W1, "att_b1": att_b1, "att_W2": att_W2, "att_b2": att_b2}


def reference(nodes, n_feature, neigh_idx, u_table, i_table,
              Wu, bu, Wi, bi, att_W1, att_b1, att_W2, att_b2):
    # nodes_fea = u_layer(ufeature.weight[nodes])   (dropout off / eval)
    nodes_fea = jnp.take(u_table, nodes, axis=0) @ Wu + bu            # [B, D]
    # per-node: neighs_feature = i_layer(ifeature.weight[interactions])
    neighs_feature = jnp.take(i_table, neigh_idx.reshape(-1), axis=0)  # [B*T, DF]
    neighs_feature = (neighs_feature @ Wi + bi).reshape(B, T, D)       # [B, T, D]
    # node_feature = u_layer(ufeature.weight[index]); mean(node_feature + n_feature[i], dim=0)
    node_feature = nodes_fea                                           # [B, D]
    node_repr = node_feature + n_feature                               # [B, D]
    # att_w = att(neighs_feature, node_repr, T): MLP + softmax over the T neighbors
    x = jnp.concatenate([neighs_feature,
                         jnp.broadcast_to(node_repr[:, None, :], (B, T, D))], axis=-1)  # [B,T,2D]
    h = jax.nn.relu(x @ att_W1 + att_b1)                               # [B, T, D]
    logits = (h @ att_W2 + att_b2)[..., 0]                             # [B, T]
    att_w = jax.nn.softmax(logits, axis=-1)                            # [B, T]
    # embedding = mm(neighs_feature.T, att_w).T -> attention-weighted sum of neighbors
    embedding = jnp.einsum('bt,btd->bd', att_w, neighs_feature)        # [B, D]
    # embed_matrix[index] = embedding  (scatter-overwrite into [NU, D])
    embed_matrix = jnp.zeros((NU, D), dtype=jnp.float32).at[nodes].set(embedding)
    return (nodes_fea, embed_matrix)

if __name__ == "__main__":
    import jax
    _d = setup_inputs()
    print(jax.jit(kernel)(*tuple(_d.values())))

</pallas_src>

<mosaic_0001>
#map = affine_map<(d0, d1) -> (0)>
#map1 = affine_map<(d0, d1) -> (0, 0)>
module attributes {stable_mosaic.version = 14 : i64} {
  func.func @sc_scatter(%arg0: i32, %arg1: i32, %arg2: memref<16384xi32, #tpu.memory_space<hbm>>, %arg3: memref<17408x128xf32, #tpu.memory_space<hbm>>, %arg4: memref<100000x128xf32, #tpu.memory_space<hbm>>, %arg5: memref<16384xi32, #tpu.memory_space<vmem>>, %arg6: memref<3200xi32, #tpu.memory_space<vmem>>, %arg7: memref<128x128xf32, #tpu.memory_space<vmem>>, %arg8: memref<128x128xf32, #tpu.memory_space<vmem>>, %arg9: memref<!tpu.dma_semaphore, #tpu.memory_space<semaphore_mem>>, %arg10: memref<!tpu.dma_semaphore, #tpu.memory_space<semaphore_mem>>, %arg11: memref<!tpu.dma_semaphore, #tpu.memory_space<semaphore_mem>>, %arg12: memref<!tpu.dma_semaphore, #tpu.memory_space<semaphore_mem>>) attributes {dimension_semantics = [#tpu.dimension_semantics<core_parallel>, #tpu.dimension_semantics<subcore_parallel>], iteration_bounds = array<i64: 2, 16>, scalar_prefetch = 0 : i64, scratch_operands = 8 : i64, tpu.core_type = #tpu.core_type<sc_vector_subcore>, window_params = [{transform_indices = #map}, {transform_indices = #map1}, {transform_indices = #map1}]} {
    %mul3A = arith.constant 2 : i32
    %mul3A_0 = arith.muli %arg1, %mul3A : i32
    %add3A = arith.addi %mul3A_0, %arg0 : i32
    "tpu.region"() ({
      %run_scoped3A = tpu.sem_alloc : memref<!tpu.dma_semaphore, #tpu.memory_space<semaphore_mem>>
      tpu.enqueue_dma source(%arg2 : memref<16384xi32, #tpu.memory_space<hbm>>) target(%arg5 : memref<16384xi32, #tpu.memory_space<vmem>>) target_semaphore(%run_scoped3A : memref<!tpu.dma_semaphore, #tpu.memory_space<semaphore_mem>>)
      tpu.wait_dma2 semaphore(%run_scoped3A : memref<!tpu.dma_semaphore, #tpu.memory_space<semaphore_mem>>) src(%arg2 : memref<16384xi32, #tpu.memory_space<hbm>>) dst(%arg5 : memref<16384xi32, #tpu.memory_space<vmem>>)
      tpu.yield
    }) : () -> ()
    %iota3A = tpu.iota {dimensions = array<i32: 0>} : vector<16xi32>
    %scan3A = arith.constant 0 : i32
    %scan3A_1 = arith.constant 0 : i32
    %scan3A_2 = arith.constant 200 : i32
    %scan3A_3 = arith.addi %scan3A_1, %scan3A_2 : i32
    %scan3A_4 = arith.constant 1 : i32
    scf.for %scan3A_35 = %scan3A_1 to %scan3A_3 step %scan3A_4  : i32 {
      %mul3A_36 = arith.constant 16 : i32
      %mul3A_37 = arith.muli %scan3A_35, %mul3A_36 : i32
      %add3A_38 = vector.broadcast %mul3A_37 : i32 to vector<16xi32>
      %add3A_39 = arith.addi %add3A_38, %iota3A : vector<16xi32>
      %and3A = arith.constant 511 : i32
      %and3A_40 = vector.broadcast %and3A : i32 to vector<16xi32>
      %and3A_41 = arith.andi %add3A_39, %and3A_40 : vector<16xi32>
      %mul3A_42 = arith.constant 16 : i32
      %mul3A_43 = arith.muli %scan3A_35, %mul3A_42 : i32
      %swap3A = arith.index_cast %mul3A_43 : i32 to index
      %swap3A_44 = tpu.vector_load %arg6[%swap3A] {strides = array<i32>} : memref<3200xi32, #tpu.memory_space<vmem>>, vector<16xi32>,
      tpu.vector_store %arg6[%swap3A], %and3A_41 {strides = array<i32>} : memref<3200xi32, #tpu.memory_space<vmem>>, vector<16xi32>,
    }
    %scan3A_5 = arith.constant 200 : i32
    %scan3A_6 = arith.constant 0 : i32
    %scan3A_7 = arith.constant 0 : i32
    %scan3A_8 = arith.constant 1024 : i32
    %scan3A_9 = arith.addi %scan3A_7, %scan3A_8 : i32
    %scan3A_10 = arith.constant 1 : i32
    scf.for %scan3A_35 = %scan3A_7 to %scan3A_9 step %scan3A_10  : i32 {
      %mul3A_36 = arith.constant 16 : i32
      %mul3A_37 = arith.muli %scan3A_35, %mul3A_36 : i32
      %get3A = arith.index_cast %mul3A_37 : i32 to index
      %get3A_38 = tpu.vector_load %arg5[%get3A] {strides = array<i32>} : memref<16384xi32, #tpu.memory_space<vmem>>, vector<16xi32>,
      %shift_right_arithmetic3A = arith.constant 7 : i32
      %shift_right_arithmetic3A_39 = vector.broadcast %shift_right_arithmetic3A : i32 to vector<16xi32>
      %shift_right_arithmetic3A_40 = arith.shrsi %get3A_38, %shift_right_arithmetic3A_39 : vector<16xi32>
      %and3A = arith.constant 31 : i32
      %and3A_41 = vector.broadcast %and3A : i32 to vector<16xi32>
      %and3A_42 = arith.andi %shift_right_arithmetic3A_40, %and3A_41 : vector<16xi32>
      %eq3A_43 = vector.broadcast %add3A : i32 to vector<16xi32>
      %eq3A_44 = arith.cmpi eq, %and3A_42, %eq3A_43 : vector<16xi32>
      %shift_right_arithmetic3A_45 = arith.constant 12 : i32
      %shift_right_arithmetic3A_46 = vector.broadcast %shift_right_arithmetic3A_45 : i32 to vector<16xi32>
      %shift_right_arithmetic3A_47 = arith.shrsi %get3A_38, %shift_right_arithmetic3A_46 : vector<16xi32>
      %shift_left3A = arith.constant 7 : i32
      %shift_left3A_48 = vector.broadcast %shift_left3A : i32 to vector<16xi32>
      %shift_left3A_49 = arith.shli %shift_right_arithmetic3A_47, %shift_left3A_48 : vector<16xi32>
      %and3A_50 = arith.constant 127 : i32
      %and3A_51 = vector.broadcast %and3A_50 : i32 to vector<16xi32>
      %and3A_52 = arith.andi %get3A_38, %and3A_51 : vector<16xi32>
      %or3A = arith.ori %shift_left3A_49, %and3A_52 : vector<16xi32>
      %mul3A_53 = arith.constant 16 : i32
      %mul3A_54 = arith.muli %scan3A_35, %mul3A_53 : i32
      %add3A_55 = vector.broadcast %mul3A_54 : i32 to vector<16xi32>
      %add3A_56 = arith.addi %add3A_55, %iota3A : vector<16xi32>
      %add3A_57 = arith.constant 512 : i32
      %add3A_58 = vector.broadcast %add3A_57 : i32 to vector<16xi32>
      %add3A_59 = arith.addi %add3A_56, %add3A_58 : vector<16xi32>
      %ge3A = arith.constant 8192 : i32
      %ge3A_60 = vector.broadcast %ge3A : i32 to vector<16xi32>
      %ge3A_61 = arith.cmpi sge, %add3A_56, %ge3A_60 : vector<16xi32>
      %jit3A = arith.constant 512 : i32
      %jit3A_62 = arith.constant 0 : i32
      %broadcast_in_dim3A = vector.broadcast %jit3A : i32 to vector<16xi32>
      %broadcast_in_dim3A_63 = vector.broadcast %jit3A_62 : i32 to vector<16xi32>
      %select_n3A = arith.select %ge3A_61, %broadcast_in_dim3A, %broadcast_in_dim3A_63 : vector<16xi1>, vector<16xi32>
      %add3A_64 = arith.addi %add3A_59, %select_n3A : vector<16xi32>
      tpu.vector_store_idx %arg6[%or3A], %add3A_64 masked %eq3A_44 : memref<3200xi32, #tpu.memory_space<vmem>>[vector<16xi32>], vector<16xi32>, vector<16xi1>
    }
    %scan3A_11 = arith.constant 1024 : i32
    %dma_start3A = arith.constant 0 : i32
    %dma_start3A_12 = tpu.memref_slice %arg6[%dma_start3A] : memref<3200xi32, #tpu.memory_space<vmem>> -> memref<128xi32, #tpu.memory_space<vmem>>
    %dma_start3A_13 = arith.constant 0 : i32
    %dma_start3A_14 = arith.constant 0 : i32
    %dma_start3A_15 = tpu.memref_slice %arg3[%dma_start3A_13, %dma_start3A_14] : memref<17408x128xf32, #tpu.memory_space<hbm>> -> memref<17408x128xf32, #tpu.memory_space<hbm>>
    tpu.enqueue_indirect_dma source(%dma_start3A_15 : memref<17408x128xf32, #tpu.memory_space<hbm>>) target(%arg7 : memref<128x128xf32, #tpu.memory_space<vmem>>) offsets(%dma_start3A_12 : memref<128xi32, #tpu.memory_space<vmem>>) semaphore(%arg9 : memref<!tpu.dma_semaphore, #tpu.memory_space<semaphore_mem>>)
    %dma_start3A_16 = arith.constant 128 : i32
    %dma_start3A_17 = tpu.memref_slice %arg6[%dma_start3A_16] : memref<3200xi32, #tpu.memory_space<vmem>> -> memref<128xi32, #tpu.memory_space<vmem>>
    %dma_start3A_18 = arith.constant 0 : i32
    %dma_start3A_19 = arith.constant 0 : i32
    %dma_start3A_20 = tpu.memref_slice %arg3[%dma_start3A_18, %dma_start3A_19] : memref<17408x128xf32, #tpu.memory_space<hbm>> -> memref<17408x128xf32, #tpu.memory_space<hbm>>
    tpu.enqueue_indirect_dma source(%dma_start3A_20 : memref<17408x128xf32, #tpu.memory_space<hbm>>) target(%arg8 : memref<128x128xf32, #tpu.memory_space<vmem>>) offsets(%dma_start3A_17 : memref<128xi32, #tpu.memory_space<vmem>>) semaphore(%arg10 : memref<!tpu.dma_semaphore, #tpu.memory_space<semaphore_mem>>)
    %scan3A_21 = arith.constant 0 : i32
    %scan3A_22 = arith.constant 0 : i32
    %scan3A_23 = arith.constant 12 : i32
    %scan3A_24 = arith.addi %scan3A_22, %scan3A_23 : i32
    %scan3A_25 = arith.constant 1 : i32
    scf.for %scan3A_35 = %scan3A_22 to %scan3A_24 step %scan3A_25  : i32 {
      %mul3A_36 = arith.constant 2 : i32
      %mul3A_37 = arith.muli %scan3A_35, %mul3A_36 : i32
      %dma_wait3A = arith.constant 0 : i32
      %dma_wait3A_38 = arith.constant 0 : i32
      %dma_wait3A_39 = tpu.memref_slice %arg3[%dma_wait3A, %dma_wait3A_38] : memref<17408x128xf32, #tpu.memory_space<hbm>> -> memref<128x128xf32, #tpu.memory_space<hbm>>
      %dma_wait3A_40 = arith.constant 0 : i32
      %dma_wait3A_41 = arith.constant 0 : i32
      %dma_wait3A_42 = tpu.memref_slice %arg3[%dma_wait3A_40, %dma_wait3A_41] : memref<17408x128xf32, #tpu.memory_space<hbm>> -> memref<128x128xf32, #tpu.memory_space<hbm>>
      tpu.wait_dma2 semaphore(%arg9 : memref<!tpu.dma_semaphore, #tpu.memory_space<semaphore_mem>>) src(%dma_wait3A_42 : memref<128x128xf32, #tpu.memory_space<hbm>>) dst(%arg7 : memref<128x128xf32, #tpu.memory_space<vmem>>)
      %mul3A_43 = arith.constant 32 : i32
      %mul3A_44 = arith.muli %mul3A_37, %mul3A_43 : i32
      %add3A_45 = arith.addi %mul3A_44, %add3A : i32
      %mul3A_46 = arith.constant 128 : i32
      %mul3A_47 = arith.muli %add3A_45, %mul3A_46 : i32
      %dma_start3A_48 = arith.constant 0 : i32
      %dma_start3A_49 = tpu.memref_slice %arg4[%mul3A_47, %dma_start3A_48] : memref<100000x128xf32, #tpu.memory_space<hbm>> -> memref<128x128xf32, #tpu.memory_space<hbm>>
      %dma_start3A_50 = arith.constant 0 : i32
      %dma_start3A_51 = tpu.memref_slice %arg4[%mul3A_47, %dma_start3A_50] : memref<100000x128xf32, #tpu.memory_space<hbm>> -> memref<128x128xf32, #tpu.memory_space<hbm>>
      tpu.enqueue_dma source(%arg7 : memref<128x128xf32, #tpu.memory_space<vmem>>) target(%dma_start3A_51 : memref<128x128xf32, #tpu.memory_space<hbm>>) target_semaphore(%arg11 : memref<!tpu.dma_semaphore, #tpu.memory_space<semaphore_mem>>)
      %dma_wait3A_52 = arith.constant 0 : i32
      %dma_wait3A_53 = arith.constant 0 : i32
      %dma_wait3A_54 = tpu.memref_slice %arg3[%dma_wait3A_52, %dma_wait3A_53] : memref<17408x128xf32, #tpu.memory_space<hbm>> -> memref<128x128xf32, #tpu.memory_space<hbm>>
      %dma_wait3A_55 = arith.constant 0 : i32
      %dma_wait3A_56 = arith.constant 0 : i32
      %dma_wait3A_57 = tpu.memref_slice %arg3[%dma_wait3A_55, %dma_wait3A_56] : memref<17408x128xf32, #tpu.memory_space<hbm>> -> memref<128x128xf32, #tpu.memory_space<hbm>>
      tpu.wait_dma2 semaphore(%arg10 : memref<!tpu.dma_semaphore, #tpu.memory_space<semaphore_mem>>) src(%dma_wait3A_57 : memref<128x128xf32, #tpu.memory_space<hbm>>) dst(%arg8 : memref<128x128xf32, #tpu.memory_space<vmem>>)
      %add3A_58 = arith.constant 1 : i32
      %add3A_59 = arith.addi %mul3A_37, %add3A_58 : i32
      %mul3A_60 = arith.constant 32 : i32
      %mul3A_61 = arith.muli %add3A_59, %mul3A_60 : i32
      %add3A_62 = arith.addi %mul3A_61, %add3A : i32
      %mul3A_63 = arith.constant 128 : i32
      %mul3A_64 = arith.muli %add3A_62, %mul3A_63 : i32
      %dma_start3A_65 = arith.constant 0 : i32
      %dma_start3A_66 = tpu.memref_slice %arg4[%mul3A_64, %dma_start3A_65] : memref<100000x128xf32, #tpu.memory_space<hbm>> -> memref<128x128xf32, #tpu.memory_space<hbm>>
      %dma_start3A_67 = arith.constant 0 : i32
      %dma_start3A_68 = tpu.memref_slice %arg4[%mul3A_64, %dma_start3A_67] : memref<100000x128xf32, #tpu.memory_space<hbm>> -> memref<128x128xf32, #tpu.memory_space<hbm>>
      tpu.enqueue_dma source(%arg8 : memref<128x128xf32, #tpu.memory_space<vmem>>) target(%dma_start3A_68 : memref<128x128xf32, #tpu.memory_space<hbm>>) target_semaphore(%arg12 : memref<!tpu.dma_semaphore, #tpu.memory_space<semaphore_mem>>)
      %add3A_69 = arith.constant 2 : i32
      %add3A_70 = arith.addi %mul3A_37, %add3A_69 : i32
      %lt3A_71 = arith.constant 24 : i32
      %lt3A_72 = arith.cmpi slt, %add3A_70, %lt3A_71 : i32
      %convert_element_type3A_73 = arith.extui %lt3A_72 : i1 to i32
      %cond3A_74 = arith.constant 0 : i32
      %cond3A_75 = arith.cmpi ne, %convert_element_type3A_73, %cond3A_74 : i32
      scf.if %cond3A_75 {
        %mul3A_96 = arith.constant 32 : i32
        %mul3A_97 = arith.muli %mul3A_37, %mul3A_96 : i32
        %add3A_98 = arith.addi %mul3A_97, %add3A : i32
        %mul3A_99 = arith.constant 128 : i32
        %mul3A_100 = arith.muli %add3A_98, %mul3A_99 : i32
        %dma_wait3A_101 = arith.constant 0 : i32
        %dma_wait3A_102 = tpu.memref_slice %arg4[%mul3A_100, %dma_wait3A_101] : memref<100000x128xf32, #tpu.memory_space<hbm>> -> memref<128x128xf32, #tpu.memory_space<hbm>>
        %dma_wait3A_103 = arith.constant 0 : i32
        %dma_wait3A_104 = tpu.memref_slice %arg4[%mul3A_100, %dma_wait3A_103] : memref<100000x128xf32, #tpu.memory_space<hbm>> -> memref<128x128xf32, #tpu.memory_space<hbm>>
        tpu.wait_dma2 semaphore(%arg11 : memref<!tpu.dma_semaphore, #tpu.memory_space<semaphore_mem>>) src(%arg7 : memref<128x128xf32, #tpu.memory_space<vmem>>) dst(%dma_wait3A_104 : memref<128x128xf32, #tpu.memory_space<hbm>>)
        %add3A_105 = arith.constant 2 : i32
        %add3A_106 = arith.addi %mul3A_37, %add3A_105 : i32
        %mul3A_107 = arith.constant 128 : i32
        %mul3A_108 = arith.muli %add3A_106, %mul3A_107 : i32
        %dma_start3A_109 = tpu.memref_slice %arg6[%mul3A_108] : memref<3200xi32, #tpu.memory_space<vmem>> -> memref<128xi32, #tpu.memory_space<vmem>>
        %dma_start3A_110 = arith.constant 0 : i32
        %dma_start3A_111 = arith.constant 0 : i32
        %dma_start3A_112 = tpu.memref_slice %arg3[%dma_start3A_110, %dma_start3A_111] : memref<17408x128xf32, #tpu.memory_space<hbm>> -> memref<17408x128xf32, #tpu.memory_space<hbm>>
        tpu.enqueue_indirect_dma source(%dma_start3A_112 : memref<17408x128xf32, #tpu.memory_space<hbm>>) target(%arg7 : memref<128x128xf32, #tpu.memory_space<vmem>>) offsets(%dma_start3A_109 : memref<128xi32, #tpu.memory_space<vmem>>) semaphore(%arg9 : memref<!tpu.dma_semaphore, #tpu.memory_space<semaphore_mem>>)
      } else {
      }
      %add3A_76 = arith.constant 3 : i32
      %add3A_77 = arith.addi %mul3A_37, %add3A_76 : i32
      %lt3A_78 = arith.constant 24 : i32
      %lt3A_79 = arith.cmpi slt, %add3A_77, %lt3A_78 : i32
      %convert_element_type3A_80 = arith.extui %lt3A_79 : i1 to i32
      %cond3A_81 = arith.constant 0 : i32
      %cond3A_82 = arith.cmpi ne, %convert_element_type3A_80, %cond3A_81 : i32
      scf.if %cond3A_82 {
        %add3A_96 = arith.constant 1 : i32
        %add3A_97 = arith.addi %mul3A_37, %add3A_96 : i32
        %mul3A_98 = arith.constant 32 : i32
        %mul3A_99 = arith.muli %add3A_97, %mul3A_98 : i32
        %add3A_100 = arith.addi %mul3A_99, %add3A : i32
        %mul3A_101 = arith.constant 128 : i32
        %mul3A_102 = arith.muli %add3A_100, %mul3A_101 : i32
        %dma_wait3A_103 = arith.constant 0 : i32
        %dma_wait3A_104 = tpu.memref_slice %arg4[%mul3A_102, %dma_wait3A_103] : memref<100000x128xf32, #tpu.memory_space<hbm>> -> memref<128x128xf32, #tpu.memory_space<hbm>>
        %dma_wait3A_105 = arith.constant 0 : i32
        %dma_wait3A_106 = tpu.memref_slice %arg4[%mul3A_102, %dma_wait3A_105] : memref<100000x128xf32, #tpu.memory_space<hbm>> -> memref<128x128xf32, #tpu.memory_space<hbm>>
        tpu.wait_dma2 semaphore(%arg12 : memref<!tpu.dma_semaphore, #tpu.memory_space<semaphore_mem>>) src(%arg8 : memref<128x128xf32, #tpu.memory_space<vmem>>) dst(%dma_wait3A_106 : memref<128x128xf32, #tpu.memory_space<hbm>>)
        %add3A_107 = arith.constant 3 : i32
        %add3A_108 = arith.addi %mul3A_37, %add3A_107 : i32
        %mul3A_109 = arith.constant 128 : i32
        %mul3A_110 = arith.muli %add3A_108, %mul3A_109 : i32
        %dma_start3A_111 = tpu.memref_slice %arg6[%mul3A_110] : memref<3200xi32, #tpu.memory_space<vmem>> -> memref<128xi32, #tpu.memory_space<vmem>>
        %dma_start3A_112 = arith.constant 0 : i32
        %dma_start3A_113 = arith.constant 0 : i32
        %dma_start3A_114 = tpu.memref_slice %arg3[%dma_start3A_112, %dma_start3A_113] : memref<17408x128xf32, #tpu.memory_space<hbm>> -> memref<17408x128xf32, #tpu.memory_space<hbm>>
        tpu.enqueue_indirect_dma source(%dma_start3A_114 : memref<17408x128xf32, #tpu.memory_space<hbm>>) target(%arg8 : memref<128x128xf32, #tpu.memory_space<vmem>>) offsets(%dma_start3A_111 : memref<128xi32, #tpu.memory_space<vmem>>) semaphore(%arg10 : memref<!tpu.dma_semaphore, #tpu.memory_space<semaphore_mem>>)
      } else {
      }
      %add3A_83 = arith.constant 2 : i32
      %add3A_84 = arith.addi %mul3A_37, %add3A_83 : i32
      %ge3A = arith.constant 24 : i32
      %ge3A_85 = arith.cmpi sge, %add3A_84, %ge3A : i32
      %convert_element_type3A_86 = arith.extui %ge3A_85 : i1 to i32
      %cond3A_87 = arith.constant 0 : i32
      %cond3A_88 = arith.cmpi ne, %convert_element_type3A_86, %cond3A_87 : i32
      scf.if %cond3A_88 {
        %mul3A_96 = arith.constant 32 : i32
        %mul3A_97 = arith.muli %mul3A_37, %mul3A_96 : i32
        %add3A_98 = arith.addi %mul3A_97, %add3A : i32
        %mul3A_99 = arith.constant 128 : i32
        %mul3A_100 = arith.muli %add3A_98, %mul3A_99 : i32
        %dma_wait3A_101 = arith.constant 0 : i32
        %dma_wait3A_102 = tpu.memref_slice %arg4[%mul3A_100, %dma_wait3A_101] : memref<100000x128xf32, #tpu.memory_space<hbm>> -> memref<128x128xf32, #tpu.memory_space<hbm>>
        %dma_wait3A_103 = arith.constant 0 : i32
        %dma_wait3A_104 = tpu.memref_slice %arg4[%mul3A_100, %dma_wait3A_103] : memref<100000x128xf32, #tpu.memory_space<hbm>> -> memref<128x128xf32, #tpu.memory_space<hbm>>
        tpu.wait_dma2 semaphore(%arg11 : memref<!tpu.dma_semaphore, #tpu.memory_space<semaphore_mem>>) src(%arg7 : memref<128x128xf32, #tpu.memory_space<vmem>>) dst(%dma_wait3A_104 : memref<128x128xf32, #tpu.memory_space<hbm>>)
      } else {
      }
      %add3A_89 = arith.constant 3 : i32
      %add3A_90 = arith.addi %mul3A_37, %add3A_89 : i32
      %ge3A_91 = arith.constant 24 : i32
      %ge3A_92 = arith.cmpi sge, %add3A_90, %ge3A_91 : i32
      %convert_element_type3A_93 = arith.extui %ge3A_92 : i1 to i32
      %cond3A_94 = arith.constant 0 : i32
      %cond3A_95 = arith.cmpi ne, %convert_element_type3A_93, %cond3A_94 : i32
      scf.if %cond3A_95 {
        %add3A_96 = arith.constant 1 : i32
        %add3A_97 = arith.addi %mul3A_37, %add3A_96 : i32
        %mul3A_98 = arith.constant 32 : i32
        %mul3A_99 = arith.muli %add3A_97, %mul3A_98 : i32
        %add3A_100 = arith.addi %mul3A_99, %add3A : i32
        %mul3A_101 = arith.constant 128 : i32
        %mul3A_102 = arith.muli %add3A_100, %mul3A_101 : i32
        %dma_wait3A_103 = arith.constant 0 : i32
        %dma_wait3A_104 = tpu.memref_slice %arg4[%mul3A_102, %dma_wait3A_103] : memref<100000x128xf32, #tpu.memory_space<hbm>> -> memref<128x128xf32, #tpu.memory_space<hbm>>
        %dma_wait3A_105 = arith.constant 0 : i32
        %dma_wait3A_106 = tpu.memref_slice %arg4[%mul3A_102, %dma_wait3A_105] : memref<100000x128xf32, #tpu.memory_space<hbm>> -> memref<128x128xf32, #tpu.memory_space<hbm>>
        tpu.wait_dma2 semaphore(%arg12 : memref<!tpu.dma_semaphore, #tpu.memory_space<semaphore_mem>>) src(%arg8 : memref<128x128xf32, #tpu.memory_space<vmem>>) dst(%dma_wait3A_106 : memref<128x128xf32, #tpu.memory_space<hbm>>)
      } else {
      }
    }
    %scan3A_26 = arith.constant 12 : i32
    %add3A_27 = arith.constant 768 : i32
    %add3A_28 = arith.addi %add3A_27, %add3A : i32
    %lt3A = arith.constant 781 : i32
    %lt3A_29 = arith.cmpi slt, %add3A_28, %lt3A : i32
    %convert_element_type3A = arith.extui %lt3A_29 : i1 to i32
    %cond3A = arith.constant 0 : i32
    %cond3A_30 = arith.cmpi ne, %convert_element_type3A, %cond3A : i32
    scf.if %cond3A_30 {
      %dma_start3A_35 = arith.constant 3072 : i32
      %dma_start3A_36 = tpu.memref_slice %arg6[%dma_start3A_35] : memref<3200xi32, #tpu.memory_space<vmem>> -> memref<128xi32, #tpu.memory_space<vmem>>
      %dma_start3A_37 = arith.constant 0 : i32
      %dma_start3A_38 = arith.constant 0 : i32
      %dma_start3A_39 = tpu.memref_slice %arg3[%dma_start3A_37, %dma_start3A_38] : memref<17408x128xf32, #tpu.memory_space<hbm>> -> memref<17408x128xf32, #tpu.memory_space<hbm>>
      tpu.enqueue_indirect_dma source(%dma_start3A_39 : memref<17408x128xf32, #tpu.memory_space<hbm>>) target(%arg7 : memref<128x128xf32, #tpu.memory_space<vmem>>) offsets(%dma_start3A_36 : memref<128xi32, #tpu.memory_space<vmem>>) semaphore(%arg9 : memref<!tpu.dma_semaphore, #tpu.memory_space<semaphore_mem>>)
      %dma_wait3A = arith.constant 3072 : i32
      %dma_wait3A_40 = tpu.memref_slice %arg6[%dma_wait3A] : memref<3200xi32, #tpu.memory_space<vmem>> -> memref<128xi32, #tpu.memory_space<vmem>>
      %dma_wait3A_41 = arith.constant 0 : i32
      %dma_wait3A_42 = arith.constant 0 : i32
      %dma_wait3A_43 = tpu.memref_slice %arg3[%dma_wait3A_41, %dma_wait3A_42] : memref<17408x128xf32, #tpu.memory_space<hbm>> -> memref<17408x128xf32, #tpu.memory_space<hbm>>
      tpu.wait_indirect_dma semaphore(%arg9 : memref<!tpu.dma_semaphore, #tpu.memory_space<semaphore_mem>>) src(%dma_wait3A_43 : memref<17408x128xf32, #tpu.memory_space<hbm>>) dst(%arg7 : memref<128x128xf32, #tpu.memory_space<vmem>>)
      %mul3A_44 = arith.constant 128 : i32
      %mul3A_45 = arith.muli %add3A_28, %mul3A_44 : i32
      "tpu.region"() ({
        %run_scoped3A = tpu.sem_alloc : memref<!tpu.dma_semaphore, #tpu.memory_space<semaphore_mem>>
        %dma_start3A_46 = arith.constant 0 : i32
        %dma_start3A_47 = tpu.memref_slice %arg4[%mul3A_45, %dma_start3A_46] : memref<100000x128xf32, #tpu.memory_space<hbm>> -> memref<128x128xf32, #tpu.memory_space<hbm>>
        %dma_start3A_48 = arith.constant 0 : i32
        %dma_start3A_49 = tpu.memref_slice %arg4[%mul3A_45, %dma_start3A_48] : memref<100000x128xf32, #tpu.memory_space<hbm>> -> memref<128x128xf32, #tpu.memory_space<hbm>>
        tpu.enqueue_dma source(%arg7 : memref<128x128xf32, #tpu.memory_space<vmem>>) target(%dma_start3A_49 : memref<128x128xf32, #tpu.memory_space<hbm>>) target_semaphore(%run_scoped3A : memref<!tpu.dma_semaphore, #tpu.memory_space<semaphore_mem>>)
        %dma_wait3A_50 = arith.constant 0 : i32
        %dma_wait3A_51 = tpu.memref_slice %arg4[%mul3A_45, %dma_wait3A_50] : memref<100000x128xf32, #tpu.memory_space<hbm>> -> memref<128x128xf32, #tpu.memory_space<hbm>>
        %dma_wait3A_52 = arith.constant 0 : i32
        %dma_wait3A_53 = tpu.memref_slice %arg4[%mul3A_45, %dma_wait3A_52] : memref<100000x128xf32, #tpu.memory_space<hbm>> -> memref<128x128xf32, #tpu.memory_space<hbm>>
        tpu.wait_dma2 semaphore(%run_scoped3A : memref<!tpu.dma_semaphore, #tpu.memory_space<semaphore_mem>>) src(%arg7 : memref<128x128xf32, #tpu.memory_space<vmem>>) dst(%dma_wait3A_53 : memref<128x128xf32, #tpu.memory_space<hbm>>)
        tpu.yield
      }) : () -> ()
    } else {
    }
    %eq3A = arith.constant 781 : i32
    %eq3A_31 = arith.cmpi eq, %add3A_28, %eq3A : i32
    %convert_element_type3A_32 = arith.extui %eq3A_31 : i1 to i32
    %cond3A_33 = arith.constant 0 : i32
    %cond3A_34 = arith.cmpi ne, %convert_element_type3A_32, %cond3A_33 : i32
    scf.if %cond3A_34 {
      %dma_start3A_35 = arith.constant 0 : i32
      %dma_start3A_36 = arith.constant 0 : i32
      %dma_start3A_37 = tpu.memref_slice %arg7[%dma_start3A_35, %dma_start3A_36] : memref<128x128xf32, #tpu.memory_space<vmem>> -> memref<32x128xf32, #tpu.memory_space<vmem>>
      %dma_start3A_38 = arith.constant 3072 : i32
      %dma_start3A_39 = tpu.memref_slice %arg6[%dma_start3A_38] : memref<3200xi32, #tpu.memory_space<vmem>> -> memref<32xi32, #tpu.memory_space<vmem>>
      %dma_start3A_40 = arith.constant 0 : i32
      %dma_start3A_41 = arith.constant 0 : i32
      %dma_start3A_42 = tpu.memref_slice %arg3[%dma_start3A_40, %dma_start3A_41] : memref<17408x128xf32, #tpu.memory_space<hbm>> -> memref<17408x128xf32, #tpu.memory_space<hbm>>
      tpu.enqueue_indirect_dma source(%dma_start3A_42 : memref<17408x128xf32, #tpu.memory_space<hbm>>) target(%dma_start3A_37 : memref<32x128xf32, #tpu.memory_space<vmem>>) offsets(%dma_start3A_39 : memref<32xi32, #tpu.memory_space<vmem>>) semaphore(%arg9 : memref<!tpu.dma_semaphore, #tpu.memory_space<semaphore_mem>>)
      %dma_wait3A = arith.constant 0 : i32
      %dma_wait3A_43 = arith.constant 0 : i32
      %dma_wait3A_44 = tpu.memref_slice %arg7[%dma_wait3A, %dma_wait3A_43] : memref<128x128xf32, #tpu.memory_space<vmem>> -> memref<32x128xf32, #tpu.memory_space<vmem>>
      %dma_wait3A_45 = arith.constant 3072 : i32
      %dma_wait3A_46 = tpu.memref_slice %arg6[%dma_wait3A_45] : memref<3200xi32, #tpu.memory_space<vmem>> -> memref<32xi32, #tpu.memory_space<vmem>>
      %dma_wait3A_47 = arith.constant 0 : i32
      %dma_wait3A_48 = arith.constant 0 : i32
      %dma_wait3A_49 = tpu.memref_slice %arg3[%dma_wait3A_47, %dma_wait3A_48] : memref<17408x128xf32, #tpu.memory_space<hbm>> -> memref<17408x128xf32, #tpu.memory_space<hbm>>
      tpu.wait_indirect_dma semaphore(%arg9 : memref<!tpu.dma_semaphore, #tpu.memory_space<semaphore_mem>>) src(%dma_wait3A_49 : memref<17408x128xf32, #tpu.memory_space<hbm>>) dst(%dma_wait3A_44 : memref<32x128xf32, #tpu.memory_space<vmem>>)
      %mul3A_50 = arith.constant 128 : i32
      %mul3A_51 = arith.muli %add3A_28, %mul3A_50 : i32
      "tpu.region"() ({
        %run_scoped3A = tpu.sem_alloc : memref<!tpu.dma_semaphore, #tpu.memory_space<semaphore_mem>>
        %dma_start3A_52 = arith.constant 0 : i32
        %dma_start3A_53 = arith.constant 0 : i32
        %dma_start3A_54 = tpu.memref_slice %arg7[%dma_start3A_52, %dma_start3A_53] : memref<128x128xf32, #tpu.memory_space<vmem>> -> memref<32x128xf32, #tpu.memory_space<vmem>>
        %dma_start3A_55 = arith.constant 0 : i32
        %dma_start3A_56 = tpu.memref_slice %arg4[%mul3A_51, %dma_start3A_55] : memref<100000x128xf32, #tpu.memory_space<hbm>> -> memref<32x128xf32, #tpu.memory_space<hbm>>
        %dma_start3A_57 = arith.constant 0 : i32
        %dma_start3A_58 = tpu.memref_slice %arg4[%mul3A_51, %dma_start3A_57] : memref<100000x128xf32, #tpu.memory_space<hbm>> -> memref<32x128xf32, #tpu.memory_space<hbm>>
        %dma_start3A_59 = arith.constant 0 : i32
        %dma_start3A_60 = arith.constant 0 : i32
        %dma_start3A_61 = tpu.memref_slice %arg7[%dma_start3A_59, %dma_start3A_60] : memref<128x128xf32, #tpu.memory_space<vmem>> -> memref<32x128xf32, #tpu.memory_space<vmem>>
        tpu.enqueue_dma source(%dma_start3A_61 : memref<32x128xf32, #tpu.memory_space<vmem>>) target(%dma_start3A_58 : memref<32x128xf32, #tpu.memory_space<hbm>>) target_semaphore(%run_scoped3A : memref<!tpu.dma_semaphore, #tpu.memory_space<semaphore_mem>>)
        %dma_wait3A_62 = arith.constant 0 : i32
        %dma_wait3A_63 = arith.constant 0 : i32
        %dma_wait3A_64 = tpu.memref_slice %arg7[%dma_wait3A_62, %dma_wait3A_63] : memref<128x128xf32, #tpu.memory_space<vmem>> -> memref<32x128xf32, #tpu.memory_space<vmem>>
        %dma_wait3A_65 = arith.constant 0 : i32
        %dma_wait3A_66 = tpu.memref_slice %arg4[%mul3A_51, %dma_wait3A_65] : memref<100000x128xf32, #tpu.memory_space<hbm>> -> memref<32x128xf32, #tpu.memory_space<hbm>>
        %dma_wait3A_67 = arith.constant 0 : i32
        %dma_wait3A_68 = tpu.memref_slice %arg4[%mul3A_51, %dma_wait3A_67] : memref<100000x128xf32, #tpu.memory_space<hbm>> -> memref<32x128xf32, #tpu.memory_space<hbm>>
        %dma_wait3A_69 = arith.constant 0 : i32
        %dma_wait3A_70 = arith.constant 0 : i32
        %dma_wait3A_71 = tpu.memref_slice %arg7[%dma_wait3A_69, %dma_wait3A_70] : memref<128x128xf32, #tpu.memory_space<vmem>> -> memref<32x128xf32, #tpu.memory_space<vmem>>
        tpu.wait_dma2 semaphore(%run_scoped3A : memref<!tpu.dma_semaphore, #tpu.memory_space<semaphore_mem>>) src(%dma_wait3A_71 : memref<32x128xf32, #tpu.memory_space<vmem>>) dst(%dma_wait3A_68 : memref<32x128xf32, #tpu.memory_space<hbm>>)
        tpu.yield
      }) : () -> ()
    } else {
    }
    return
  }
}

#map = affine_map<(d0, d1) -> (0, 0)>
#map1 = affine_map<(d0, d1) -> (0)>
module attributes {stable_mosaic.version = 14 : i64} {
  func.func @gather_kernel(%arg0: i32, %arg1: i32, %arg2: memref<100000x128xf32, #tpu.memory_space<hbm>>, %arg3: memref<100000x128xf32, #tpu.memory_space<hbm>>, %arg4: memref<196608xi32, #tpu.memory_space<hbm>>, %arg5: memref<8192xi32, #tpu.memory_space<hbm>>, %arg6: memref<196608x128xf32, #tpu.memory_space<hbm>>, %arg7: memref<8192x128xf32, #tpu.memory_space<hbm>>, %arg8: memref<6144xi32, #tpu.memory_space<vmem>>, %arg9: memref<256xi32, #tpu.memory_space<vmem>>, %arg10: memref<128x128xf32, #tpu.memory_space<vmem>>, %arg11: memref<128x128xf32, #tpu.memory_space<vmem>>, %arg12: memref<!tpu.dma_semaphore, #tpu.memory_space<semaphore_mem>>, %arg13: memref<!tpu.dma_semaphore, #tpu.memory_space<semaphore_mem>>, %arg14: memref<!tpu.dma_semaphore, #tpu.memory_space<semaphore_mem>>, %arg15: memref<!tpu.dma_semaphore, #tpu.memory_space<semaphore_mem>>) attributes {dimension_semantics = [#tpu.dimension_semantics<core_parallel>, #tpu.dimension_semantics<subcore_parallel>], iteration_bounds = array<i64: 2, 16>, scalar_prefetch = 0 : i64, scratch_operands = 8 : i64, tpu.core_type = #tpu.core_type<sc_vector_subcore>, window_params = [{transform_indices = #map}, {transform_indices = #map}, {transform_indices = #map1}, {transform_indices = #map1}, {transform_indices = #map}, {transform_indices = #map}]} {
    %mul3A = arith.constant 2 : i32
    %mul3A_0 = arith.muli %arg1, %mul3A : i32
    %add3A = arith.addi %mul3A_0, %arg0 : i32
    %mul3A_1 = arith.constant 6144 : i32
    %mul3A_2 = arith.muli %add3A, %mul3A_1 : i32
    "tpu.region"() ({
      %run_scoped3A = tpu.sem_alloc : memref<!tpu.dma_semaphore, #tpu.memory_space<semaphore_mem>>
      %dma_start3A_89 = tpu.memref_slice %arg4[%mul3A_2] : memref<196608xi32, #tpu.memory_space<hbm>> -> memref<6144xi32, #tpu.memory_space<hbm>>
      %dma_start3A_90 = tpu.memref_slice %arg4[%mul3A_2] : memref<196608xi32, #tpu.memory_space<hbm>> -> memref<6144xi32, #tpu.memory_space<hbm>>
      tpu.enqueue_dma source(%dma_start3A_90 : memref<6144xi32, #tpu.memory_space<hbm>>) target(%arg8 : memref<6144xi32, #tpu.memory_space<vmem>>) target_semaphore(%run_scoped3A : memref<!tpu.dma_semaphore, #tpu.memory_space<semaphore_mem>>)
      %dma_wait3A_91 = tpu.memref_slice %arg4[%mul3A_2] : memref<196608xi32, #tpu.memory_space<hbm>> -> memref<6144xi32, #tpu.memory_space<hbm>>
      %dma_wait3A_92 = tpu.memref_slice %arg4[%mul3A_2] : memref<196608xi32, #tpu.memory_space<hbm>> -> memref<6144xi32, #tpu.memory_space<hbm>>
      tpu.wait_dma2 semaphore(%run_scoped3A : memref<!tpu.dma_semaphore, #tpu.memory_space<semaphore_mem>>) src(%dma_wait3A_92 : memref<6144xi32, #tpu.memory_space<hbm>>) dst(%arg8 : memref<6144xi32, #tpu.memory_space<vmem>>)
      tpu.yield
    }) : () -> ()
    %mul3A_3 = arith.constant 6144 : i32
    %mul3A_4 = arith.muli %add3A, %mul3A_3 : i32
    %dma_start3A = arith.constant 0 : i32
    %dma_start3A_5 = tpu.memref_slice %arg8[%dma_start3A] : memref<6144xi32, #tpu.memory_space<vmem>> -> memref<128xi32, #tpu.memory_space<vmem>>
    %dma_start3A_6 = arith.constant 0 : i32
    %dma_start3A_7 = arith.constant 0 : i32
    %dma_start3A_8 = tpu.memref_slice %arg2[%dma_start3A_6, %dma_start3A_7] : memref<100000x128xf32, #tpu.memory_space<hbm>> -> memref<100000x128xf32, #tpu.memory_space<hbm>>
    tpu.enqueue_indirect_dma source(%dma_start3A_8 : memref<100000x128xf32, #tpu.memory_space<hbm>>) target(%arg10 : memref<128x128xf32, #tpu.memory_space<vmem>>) offsets(%dma_start3A_5 : memref<128xi32, #tpu.memory_space<vmem>>) semaphore(%arg12 : memref<!tpu.dma_semaphore, #tpu.memory_space<semaphore_mem>>)
    %dma_start3A_9 = arith.constant 128 : i32
    %dma_start3A_10 = tpu.memref_slice %arg8[%dma_start3A_9] : memref<6144xi32, #tpu.memory_space<vmem>> -> memref<128xi32, #tpu.memory_space<vmem>>
    %dma_start3A_11 = arith.constant 0 : i32
    %dma_start3A_12 = arith.constant 0 : i32
    %dma_start3A_13 = tpu.memref_slice %arg2[%dma_start3A_11, %dma_start3A_12] : memref<100000x128xf32, #tpu.memory_space<hbm>> -> memref<100000x128xf32, #tpu.memory_space<hbm>>
    tpu.enqueue_indirect_dma source(%dma_start3A_13 : memref<100000x128xf32, #tpu.memory_space<hbm>>) target(%arg11 : memref<128x128xf32, #tpu.memory_space<vmem>>) offsets(%dma_start3A_10 : memref<128xi32, #tpu.memory_space<vmem>>) semaphore(%arg13 : memref<!tpu.dma_semaphore, #tpu.memory_space<semaphore_mem>>)
    %scan3A = arith.constant 0 : i32
    %scan3A_14 = arith.constant 0 : i32
    %scan3A_15 = arith.constant 24 : i32
    %scan3A_16 = arith.addi %scan3A_14, %scan3A_15 : i32
    %scan3A_17 = arith.constant 1 : i32
    scf.for %scan3A_89 = %scan3A_14 to %scan3A_16 step %scan3A_17  : i32 {
      %mul3A_90 = arith.constant 2 : i32
      %mul3A_91 = arith.muli %scan3A_89, %mul3A_90 : i32
      %dma_wait3A_92 = arith.constant 0 : i32
      %dma_wait3A_93 = arith.constant 0 : i32
      %dma_wait3A_94 = tpu.memref_slice %arg2[%dma_wait3A_92, %dma_wait3A_93] : memref<100000x128xf32, #tpu.memory_space<hbm>> -> memref<128x128xf32, #tpu.memory_space<hbm>>
      %dma_wait3A_95 = arith.constant 0 : i32
      %dma_wait3A_96 = arith.constant 0 : i32
      %dma_wait3A_97 = tpu.memref_slice %arg2[%dma_wait3A_95, %dma_wait3A_96] : memref<100000x128xf32, #tpu.memory_space<hbm>> -> memref<128x128xf32, #tpu.memory_space<hbm>>
      tpu.wait_dma2 semaphore(%arg12 : memref<!tpu.dma_semaphore, #tpu.memory_space<semaphore_mem>>) src(%dma_wait3A_97 : memref<128x128xf32, #tpu.memory_space<hbm>>) dst(%arg10 : memref<128x128xf32, #tpu.memory_space<vmem>>)
      %mul3A_98 = arith.constant 128 : i32
      %mul3A_99 = arith.muli %mul3A_91, %mul3A_98 : i32
      %add3A_100 = arith.addi %mul3A_4, %mul3A_99 : i32
      %dma_start3A_101 = arith.constant 0 : i32
      %dma_start3A_102 = tpu.memref_slice %arg6[%add3A_100, %dma_start3A_101] : memref<196608x128xf32, #tpu.memory_space<hbm>> -> memref<128x128xf32, #tpu.memory_space<hbm>>
      %dma_start3A_103 = arith.constant 0 : i32
      %dma_start3A_104 = tpu.memref_slice %arg6[%add3A_100, %dma_start3A_103] : memref<196608x128xf32, #tpu.memory_space<hbm>> -> memref<128x128xf32, #tpu.memory_space<hbm>>
      tpu.enqueue_dma source(%arg10 : memref<128x128xf32, #tpu.memory_space<vmem>>) target(%dma_start3A_104 : memref<128x128xf32, #tpu.memory_space<hbm>>) target_semaphore(%arg14 : memref<!tpu.dma_semaphore, #tpu.memory_space<semaphore_mem>>)
      %dma_wait3A_105 = arith.constant 0 : i32
      %dma_wait3A_106 = arith.constant 0 : i32
      %dma_wait3A_107 = tpu.memref_slice %arg2[%dma_wait3A_105, %dma_wait3A_106] : memref<100000x128xf32, #tpu.memory_space<hbm>> -> memref<128x128xf32, #tpu.memory_space<hbm>>
      %dma_wait3A_108 = arith.constant 0 : i32
      %dma_wait3A_109 = arith.constant 0 : i32
      %dma_wait3A_110 = tpu.memref_slice %arg2[%dma_wait3A_108, %dma_wait3A_109] : memref<100000x128xf32, #tpu.memory_space<hbm>> -> memref<128x128xf32, #tpu.memory_space<hbm>>
      tpu.wait_dma2 semaphore(%arg13 : memref<!tpu.dma_semaphore, #tpu.memory_space<semaphore_mem>>) src(%dma_wait3A_110 : memref<128x128xf32, #tpu.memory_space<hbm>>) dst(%arg11 : memref<128x128xf32, #tpu.memory_space<vmem>>)
      %add3A_111 = arith.constant 1 : i32
      %add3A_112 = arith.addi %mul3A_91, %add3A_111 : i32
      %mul3A_113 = arith.constant 128 : i32
      %mul3A_114 = arith.muli %add3A_112, %mul3A_113 : i32
      %add3A_115 = arith.addi %mul3A_4, %mul3A_114 : i32
      %dma_start3A_116 = arith.constant 0 : i32
      %dma_start3A_117 = tpu.memref_slice %arg6[%add3A_115, %dma_start3A_116] : memref<196608x128xf32, #tpu.memory_space<hbm>> -> memref<128x128xf32, #tpu.memory_space<hbm>>
      %dma_start3A_118 = arith.constant 0 : i32
      %dma_start3A_119 = tpu.memref_slice %arg6[%add3A_115, %dma_start3A_118] : memref<196608x128xf32, #tpu.memory_space<hbm>> -> memref<128x128xf32, #tpu.memory_space<hbm>>
      tpu.enqueue_dma source(%arg11 : memref<128x128xf32, #tpu.memory_space<vmem>>) target(%dma_start3A_119 : memref<128x128xf32, #tpu.memory_space<hbm>>) target_semaphore(%arg15 : memref<!tpu.dma_semaphore, #tpu.memory_space<semaphore_mem>>)
      %add3A_120 = arith.constant 2 : i32
      %add3A_121 = arith.addi %mul3A_91, %add3A_120 : i32
      %lt3A_122 = arith.constant 48 : i32
      %lt3A_123 = arith.cmpi slt, %add3A_121, %lt3A_122 : i32
      %convert_element_type3A_124 = arith.extui %lt3A_123 : i1 to i32
      %cond3A_125 = arith.constant 0 : i32
      %cond3A_126 = arith.cmpi ne, %convert_element_type3A_124, %cond3A_125 : i32
      scf.if %cond3A_126 {
        %mul3A_148 = arith.constant 128 : i32
        %mul3A_149 = arith.muli %mul3A_91, %mul3A_148 : i32
        %add3A_150 = arith.addi %mul3A_4, %mul3A_149 : i32
        %dma_wait3A_151 = arith.constant 0 : i32
        %dma_wait3A_152 = tpu.memref_slice %arg6[%add3A_150, %dma_wait3A_151] : memref<196608x128xf32, #tpu.memory_space<hbm>> -> memref<128x128xf32, #tpu.memory_space<hbm>>
        %dma_wait3A_153 = arith.constant 0 : i32
        %dma_wait3A_154 = tpu.memref_slice %arg6[%add3A_150, %dma_wait3A_153] : memref<196608x128xf32, #tpu.memory_space<hbm>> -> memref<128x128xf32, #tpu.memory_space<hbm>>
        tpu.wait_dma2 semaphore(%arg14 : memref<!tpu.dma_semaphore, #tpu.memory_space<semaphore_mem>>) src(%arg10 : memref<128x128xf32, #tpu.memory_space<vmem>>) dst(%dma_wait3A_154 : memref<128x128xf32, #tpu.memory_space<hbm>>)
        %add3A_155 = arith.constant 2 : i32
        %add3A_156 = arith.addi %mul3A_91, %add3A_155 : i32
        %mul3A_157 = arith.constant 128 : i32
        %mul3A_158 = arith.muli %add3A_156, %mul3A_157 : i32
        %dma_start3A_159 = tpu.memref_slice %arg8[%mul3A_158] : memref<6144xi32, #tpu.memory_space<vmem>> -> memref<128xi32, #tpu.memory_space<vmem>>
        %dma_start3A_160 = arith.constant 0 : i32
        %dma_start3A_161 = arith.constant 0 : i32
        %dma_start3A_162 = tpu.memref_slice %arg2[%dma_start3A_160, %dma_start3A_161] : memref<100000x128xf32, #tpu.memory_space<hbm>> -> memref<100000x128xf32, #tpu.memory_space<hbm>>
        tpu.enqueue_indirect_dma source(%dma_start3A_162 : memref<100000x128xf32, #tpu.memory_space<hbm>>) target(%arg10 : memref<128x128xf32, #tpu.memory_space<vmem>>) offsets(%dma_start3A_159 : memref<128xi32, #tpu.memory_space<vmem>>) semaphore(%arg12 : memref<!tpu.dma_semaphore, #tpu.memory_space<semaphore_mem>>)
      } else {
      }
      %add3A_127 = arith.constant 3 : i32
      %add3A_128 = arith.addi %mul3A_91, %add3A_127 : i32
      %lt3A_129 = arith.constant 48 : i32
      %lt3A_130 = arith.cmpi slt, %add3A_128, %lt3A_129 : i32
      %convert_element_type3A_131 = arith.extui %lt3A_130 : i1 to i32
      %cond3A_132 = arith.constant 0 : i32
      %cond3A_133 = arith.cmpi ne, %convert_element_type3A_131, %cond3A_132 : i32
      scf.if %cond3A_133 {
        %add3A_148 = arith.constant 1 : i32
        %add3A_149 = arith.addi %mul3A_91, %add3A_148 : i32
        %mul3A_150 = arith.constant 128 : i32
        %mul3A_151 = arith.muli %add3A_149, %mul3A_150 : i32
        %add3A_152 = arith.addi %mul3A_4, %mul3A_151 : i32
        %dma_wait3A_153 = arith.constant 0 : i32
        %dma_wait3A_154 = tpu.memref_slice %arg6[%add3A_152, %dma_wait3A_153] : memref<196608x128xf32, #tpu.memory_space<hbm>> -> memref<128x128xf32, #tpu.memory_space<hbm>>
        %dma_wait3A_155 = arith.constant 0 : i32
        %dma_wait3A_156 = tpu.memref_slice %arg6[%add3A_152, %dma_wait3A_155] : memref<196608x128xf32, #tpu.memory_space<hbm>> -> memref<128x128xf32, #tpu.memory_space<hbm>>
        tpu.wait_dma2 semaphore(%arg15 : memref<!tpu.dma_semaphore, #tpu.memory_space<semaphore_mem>>) src(%arg11 : memref<128x128xf32, #tpu.memory_space<vmem>>) dst(%dma_wait3A_156 : memref<128x128xf32, #tpu.memory_space<hbm>>)
        %add3A_157 = arith.constant 3 : i32
        %add3A_158 = arith.addi %mul3A_91, %add3A_157 : i32
        %mul3A_159 = arith.constant 128 : i32
        %mul3A_160 = arith.muli %add3A_158, %mul3A_159 : i32
        %dma_start3A_161 = tpu.memref_slice %arg8[%mul3A_160] : memref<6144xi32, #tpu.memory_space<vmem>> -> memref<128xi32, #tpu.memory_space<vmem>>
        %dma_start3A_162 = arith.constant 0 : i32
        %dma_start3A_163 = arith.constant 0 : i32
        %dma_start3A_164 = tpu.memref_slice %arg2[%dma_start3A_162, %dma_start3A_163] : memref<100000x128xf32, #tpu.memory_space<hbm>> -> memref<100000x128xf32, #tpu.memory_space<hbm>>
        tpu.enqueue_indirect_dma source(%dma_start3A_164 : memref<100000x128xf32, #tpu.memory_space<hbm>>) target(%arg11 : memref<128x128xf32, #tpu.memory_space<vmem>>) offsets(%dma_start3A_161 : memref<128xi32, #tpu.memory_space<vmem>>) semaphore(%arg13 : memref<!tpu.dma_semaphore, #tpu.memory_space<semaphore_mem>>)
      } else {
      }
      %add3A_134 = arith.constant 2 : i32
      %add3A_135 = arith.addi %mul3A_91, %add3A_134 : i32
      %ge3A_136 = arith.constant 48 : i32
      %ge3A_137 = arith.cmpi sge, %add3A_135, %ge3A_136 : i32
      %convert_element_type3A_138 = arith.extui %ge3A_137 : i1 to i32
      %cond3A_139 = arith.constant 0 : i32
      %cond3A_140 = arith.cmpi ne, %convert_element_type3A_138, %cond3A_139 : i32
      scf.if %cond3A_140 {
        %mul3A_148 = arith.constant 128 : i32
        %mul3A_149 = arith.muli %mul3A_91, %mul3A_148 : i32
        %add3A_150 = arith.addi %mul3A_4, %mul3A_149 : i32
        %dma_wait3A_151 = arith.constant 0 : i32
        %dma_wait3A_152 = tpu.memref_slice %arg6[%add3A_150, %dma_wait3A_151] : memref<196608x128xf32, #tpu.memory_space<hbm>> -> memref<128x128xf32, #tpu.memory_space<hbm>>
        %dma_wait3A_153 = arith.constant 0 : i32
        %dma_wait3A_154 = tpu.memref_slice %arg6[%add3A_150, %dma_wait3A_153] : memref<196608x128xf32, #tpu.memory_space<hbm>> -> memref<128x128xf32, #tpu.memory_space<hbm>>
        tpu.wait_dma2 semaphore(%arg14 : memref<!tpu.dma_semaphore, #tpu.memory_space<semaphore_mem>>) src(%arg10 : memref<128x128xf32, #tpu.memory_space<vmem>>) dst(%dma_wait3A_154 : memref<128x128xf32, #tpu.memory_space<hbm>>)
      } else {
      }
      %add3A_141 = arith.constant 3 : i32
      %add3A_142 = arith.addi %mul3A_91, %add3A_141 : i32
      %ge3A_143 = arith.constant 48 : i32
      %ge3A_144 = arith.cmpi sge, %add3A_142, %ge3A_143 : i32
      %convert_element_type3A_145 = arith.extui %ge3A_144 : i1 to i32
      %cond3A_146 = arith.constant 0 : i32
      %cond3A_147 = arith.cmpi ne, %convert_element_type3A_145, %cond3A_146 : i32
      scf.if %cond3A_147 {
        %add3A_148 = arith.constant 1 : i32
        %add3A_149 = arith.addi %mul3A_91, %add3A_148 : i32
        %mul3A_150 = arith.constant 128 : i32
        %mul3A_151 = arith.muli %add3A_149, %mul3A_150 : i32
        %add3A_152 = arith.addi %mul3A_4, %mul3A_151 : i32
        %dma_wait3A_153 = arith.constant 0 : i32
        %dma_wait3A_154 = tpu.memref_slice %arg6[%add3A_152, %dma_wait3A_153] : memref<196608x128xf32, #tpu.memory_space<hbm>> -> memref<128x128xf32, #tpu.memory_space<hbm>>
        %dma_wait3A_155 = arith.constant 0 : i32
        %dma_wait3A_156 = tpu.memref_slice %arg6[%add3A_152, %dma_wait3A_155] : memref<196608x128xf32, #tpu.memory_space<hbm>> -> memref<128x128xf32, #tpu.memory_space<hbm>>
        tpu.wait_dma2 semaphore(%arg15 : memref<!tpu.dma_semaphore, #tpu.memory_space<semaphore_mem>>) src(%arg11 : memref<128x128xf32, #tpu.memory_space<vmem>>) dst(%dma_wait3A_156 : memref<128x128xf32, #tpu.memory_space<hbm>>)
      } else {
      }
    }
    %scan3A_18 = arith.constant 24 : i32
    %mul3A_19 = arith.constant 256 : i32
    %mul3A_20 = arith.muli %add3A, %mul3A_19 : i32
    "tpu.region"() ({
      %run_scoped3A = tpu.sem_alloc : memref<!tpu.dma_semaphore, #tpu.memory_space<semaphore_mem>>
      %dma_start3A_89 = tpu.memref_slice %arg5[%mul3A_20] : memref<8192xi32, #tpu.memory_space<hbm>> -> memref<256xi32, #tpu.memory_space<hbm>>
      %dma_start3A_90 = tpu.memref_slice %arg5[%mul3A_20] : memref<8192xi32, #tpu.memory_space<hbm>> -> memref<256xi32, #tpu.memory_space<hbm>>
      tpu.enqueue_dma source(%dma_start3A_90 : memref<256xi32, #tpu.memory_space<hbm>>) target(%arg9 : memref<256xi32, #tpu.memory_space<vmem>>) target_semaphore(%run_scoped3A : memref<!tpu.dma_semaphore, #tpu.memory_space<semaphore_mem>>)
      %dma_wait3A_91 = tpu.memref_slice %arg5[%mul3A_20] : memref<8192xi32, #tpu.memory_space<hbm>> -> memref<256xi32, #tpu.memory_space<hbm>>
      %dma_wait3A_92 = tpu.memref_slice %arg5[%mul3A_20] : memref<8192xi32, #tpu.memory_space<hbm>> -> memref<256xi32, #tpu.memory_space<hbm>>
      tpu.wait_dma2 semaphore(%run_scoped3A : memref<!tpu.dma_semaphore, #tpu.memory_space<semaphore_mem>>) src(%dma_wait3A_92 : memref<256xi32, #tpu.memory_space<hbm>>) dst(%arg9 : memref<256xi32, #tpu.memory_space<vmem>>)
      tpu.yield
    }) : () -> ()
    %mul3A_21 = arith.constant 256 : i32
    %mul3A_22 = arith.muli %add3A, %mul3A_21 : i32
    %dma_start3A_23 = arith.constant 0 : i32
    %dma_start3A_24 = tpu.memref_slice %arg9[%dma_start3A_23] : memref<256xi32, #tpu.memory_space<vmem>> -> memref<128xi32, #tpu.memory_space<vmem>>
    %dma_start3A_25 = arith.constant 0 : i32
    %dma_start3A_26 = arith.constant 0 : i32
    %dma_start3A_27 = tpu.memref_slice %arg3[%dma_start3A_25, %dma_start3A_26] : memref<100000x128xf32, #tpu.memory_space<hbm>> -> memref<100000x128xf32, #tpu.memory_space<hbm>>
    tpu.enqueue_indirect_dma source(%dma_start3A_27 : memref<100000x128xf32, #tpu.memory_space<hbm>>) target(%arg10 : memref<128x128xf32, #tpu.memory_space<vmem>>) offsets(%dma_start3A_24 : memref<128xi32, #tpu.memory_space<vmem>>) semaphore(%arg12 : memref<!tpu.dma_semaphore, #tpu.memory_space<semaphore_mem>>)
    %dma_start3A_28 = arith.constant 128 : i32
    %dma_start3A_29 = tpu.memref_slice %arg9[%dma_start3A_28] : memref<256xi32, #tpu.memory_space<vmem>> -> memref<128xi32, #tpu.memory_space<vmem>>
    %dma_start3A_30 = arith.constant 0 : i32
    %dma_start3A_31 = arith.constant 0 : i32
    %dma_start3A_32 = tpu.memref_slice %arg3[%dma_start3A_30, %dma_start3A_31] : memref<100000x128xf32, #tpu.memory_space<hbm>> -> memref<100000x128xf32, #tpu.memory_space<hbm>>
    tpu.enqueue_indirect_dma source(%dma_start3A_32 : memref<100000x128xf32, #tpu.memory_space<hbm>>) target(%arg11 : memref<128x128xf32, #tpu.memory_space<vmem>>) offsets(%dma_start3A_29 : memref<128xi32, #tpu.memory_space<vmem>>) semaphore(%arg13 : memref<!tpu.dma_semaphore, #tpu.memory_space<semaphore_mem>>)
    %scan3A_33 = arith.constant 0 : i32
    %scan3A_34 = arith.constant 0 : i32
    %mul3A_35 = arith.constant 2 : i32
    %mul3A_36 = arith.muli %scan3A_34, %mul3A_35 : i32
    %dma_wait3A = arith.constant 0 : i32
    %dma_wait3A_37 = arith.constant 0 : i32
    %dma_wait3A_38 = tpu.memref_slice %arg3[%dma_wait3A, %dma_wait3A_37] : memref<100000x128xf32, #tpu.memory_space<hbm>> -> memref<128x128xf32, #tpu.memory_space<hbm>>
    %dma_wait3A_39 = arith.constant 0 : i32
    %dma_wait3A_40 = arith.constant 0 : i32
    %dma_wait3A_41 = tpu.memref_slice %arg3[%dma_wait3A_39, %dma_wait3A_40] : memref<100000x128xf32, #tpu.memory_space<hbm>> -> memref<128x128xf32, #tpu.memory_space<hbm>>
    tpu.wait_dma2 semaphore(%arg12 : memref<!tpu.dma_semaphore, #tpu.memory_space<semaphore_mem>>) src(%dma_wait3A_41 : memref<128x128xf32, #tpu.memory_space<hbm>>) dst(%arg10 : memref<128x128xf32, #tpu.memory_space<vmem>>)
    %mul3A_42 = arith.constant 128 : i32
    %mul3A_43 = arith.muli %mul3A_36, %mul3A_42 : i32
    %add3A_44 = arith.addi %mul3A_22, %mul3A_43 : i32
    %dma_start3A_45 = arith.constant 0 : i32
    %dma_start3A_46 = tpu.memref_slice %arg7[%add3A_44, %dma_start3A_45] : memref<8192x128xf32, #tpu.memory_space<hbm>> -> memref<128x128xf32, #tpu.memory_space<hbm>>
    %dma_start3A_47 = arith.constant 0 : i32
    %dma_start3A_48 = tpu.memref_slice %arg7[%add3A_44, %dma_start3A_47] : memref<8192x128xf32, #tpu.memory_space<hbm>> -> memref<128x128xf32, #tpu.memory_space<hbm>>
    tpu.enqueue_dma source(%arg10 : memref<128x128xf32, #tpu.memory_space<vmem>>) target(%dma_start3A_48 : memref<128x128xf32, #tpu.memory_space<hbm>>) target_semaphore(%arg14 : memref<!tpu.dma_semaphore, #tpu.memory_space<semaphore_mem>>)
    %dma_wait3A_49 = arith.constant 0 : i32
    %dma_wait3A_50 = arith.constant 0 : i32
    %dma_wait3A_51 = tpu.memref_slice %arg3[%dma_wait3A_49, %dma_wait3A_50] : memref<100000x128xf32, #tpu.memory_space<hbm>> -> memref<128x128xf32, #tpu.memory_space<hbm>>
    %dma_wait3A_52 = arith.constant 0 : i32
    %dma_wait3A_53 = arith.constant 0 : i32
    %dma_wait3A_54 = tpu.memref_slice %arg3[%dma_wait3A_52, %dma_wait3A_53] : memref<100000x128xf32, #tpu.memory_space<hbm>> -> memref<128x128xf32, #tpu.memory_space<hbm>>
    tpu.wait_dma2 semaphore(%arg13 : memref<!tpu.dma_semaphore, #tpu.memory_space<semaphore_mem>>) src(%dma_wait3A_54 : memref<128x128xf32, #tpu.memory_space<hbm>>) dst(%arg11 : memref<128x128xf32, #tpu.memory_space<vmem>>)
    %add3A_55 = arith.constant 1 : i32
    %add3A_56 = arith.addi %mul3A_36, %add3A_55 : i32
    %mul3A_57 = arith.constant 128 : i32
    %mul3A_58 = arith.muli %add3A_56, %mul3A_57 : i32
    %add3A_59 = arith.addi %mul3A_22, %mul3A_58 : i32
    %dma_start3A_60 = arith.constant 0 : i32
    %dma_start3A_61 = tpu.memref_slice %arg7[%add3A_59, %dma_start3A_60] : memref<8192x128xf32, #tpu.memory_space<hbm>> -> memref<128x128xf32, #tpu.memory_space<hbm>>
    %dma_start3A_62 = arith.constant 0 : i32
    %dma_start3A_63 = tpu.memref_slice %arg7[%add3A_59, %dma_start3A_62] : memref<8192x128xf32, #tpu.memory_space<hbm>> -> memref<128x128xf32, #tpu.memory_space<hbm>>
    tpu.enqueue_dma source(%arg11 : memref<128x128xf32, #tpu.memory_space<vmem>>) target(%dma_start3A_63 : memref<128x128xf32, #tpu.memory_space<hbm>>) target_semaphore(%arg15 : memref<!tpu.dma_semaphore, #tpu.memory_space<semaphore_mem>>)
    %add3A_64 = arith.constant 2 : i32
    %add3A_65 = arith.addi %mul3A_36, %add3A_64 : i32
    %lt3A = arith.constant 2 : i32
    %lt3A_66 = arith.cmpi slt, %add3A_65, %lt3A : i32
    %convert_element_type3A = arith.extui %lt3A_66 : i1 to i32
    %cond3A = arith.constant 0 : i32
    %cond3A_67 = arith.cmpi ne, %convert_element_type3A, %cond3A : i32
    scf.if %cond3A_67 {
      %mul3A_89 = arith.constant 128 : i32
      %mul3A_90 = arith.muli %mul3A_36, %mul3A_89 : i32
      %add3A_91 = arith.addi %mul3A_22, %mul3A_90 : i32
      %dma_wait3A_92 = arith.constant 0 : i32
      %dma_wait3A_93 = tpu.memref_slice %arg7[%add3A_91, %dma_wait3A_92] : memref<8192x128xf32, #tpu.memory_space<hbm>> -> memref<128x128xf32, #tpu.memory_space<hbm>>
      %dma_wait3A_94 = arith.constant 0 : i32
      %dma_wait3A_95 = tpu.memref_slice %arg7[%add3A_91, %dma_wait3A_94] : memref<8192x128xf32, #tpu.memory_space<hbm>> -> memref<128x128xf32, #tpu.memory_space<hbm>>
      tpu.wait_dma2 semaphore(%arg14 : memref<!tpu.dma_semaphore, #tpu.memory_space<semaphore_mem>>) src(%arg10 : memref<128x128xf32, #tpu.memory_space<vmem>>) dst(%dma_wait3A_95 : memref<128x128xf32, #tpu.memory_space<hbm>>)
      %add3A_96 = arith.constant 2 : i32
      %add3A_97 = arith.addi %mul3A_36, %add3A_96 : i32
      %mul3A_98 = arith.constant 128 : i32
      %mul3A_99 = arith.muli %add3A_97, %mul3A_98 : i32
      %dma_start3A_100 = tpu.memref_slice %arg9[%mul3A_99] : memref<256xi32, #tpu.memory_space<vmem>> -> memref<128xi32, #tpu.memory_space<vmem>>
      %dma_start3A_101 = arith.constant 0 : i32
      %dma_start3A_102 = arith.constant 0 : i32
      %dma_start3A_103 = tpu.memref_slice %arg3[%dma_start3A_101, %dma_start3A_102] : memref<100000x128xf32, #tpu.memory_space<hbm>> -> memref<100000x128xf32, #tpu.memory_space<hbm>>
      tpu.enqueue_indirect_dma source(%dma_start3A_103 : memref<100000x128xf32, #tpu.memory_space<hbm>>) target(%arg10 : memref<128x128xf32, #tpu.memory_space<vmem>>) offsets(%dma_start3A_100 : memref<128xi32, #tpu.memory_space<vmem>>) semaphore(%arg12 : memref<!tpu.dma_semaphore, #tpu.memory_space<semaphore_mem>>)
    } else {
    }
    %add3A_68 = arith.constant 3 : i32
    %add3A_69 = arith.addi %mul3A_36, %add3A_68 : i32
    %lt3A_70 = arith.constant 2 : i32
    %lt3A_71 = arith.cmpi slt, %add3A_69, %lt3A_70 : i32
    %convert_element_type3A_72 = arith.extui %lt3A_71 : i1 to i32
    %cond3A_73 = arith.constant 0 : i32
    %cond3A_74 = arith.cmpi ne, %convert_element_type3A_72, %cond3A_73 : i32
    scf.if %cond3A_74 {
      %add3A_89 = arith.constant 1 : i32
      %add3A_90 = arith.addi %mul3A_36, %add3A_89 : i32
      %mul3A_91 = arith.constant 128 : i32
      %mul3A_92 = arith.muli %add3A_90, %mul3A_91 : i32
      %add3A_93 = arith.addi %mul3A_22, %mul3A_92 : i32
      %dma_wait3A_94 = arith.constant 0 : i32
      %dma_wait3A_95 = tpu.memref_slice %arg7[%add3A_93, %dma_wait3A_94] : memref<8192x128xf32, #tpu.memory_space<hbm>> -> memref<128x128xf32, #tpu.memory_space<hbm>>
      %dma_wait3A_96 = arith.constant 0 : i32
      %dma_wait3A_97 = tpu.memref_slice %arg7[%add3A_93, %dma_wait3A_96] : memref<8192x128xf32, #tpu.memory_space<hbm>> -> memref<128x128xf32, #tpu.memory_space<hbm>>
      tpu.wait_dma2 semaphore(%arg15 : memref<!tpu.dma_semaphore, #tpu.memory_space<semaphore_mem>>) src(%arg11 : memref<128x128xf32, #tpu.memory_space<vmem>>) dst(%dma_wait3A_97 : memref<128x128xf32, #tpu.memory_space<hbm>>)
      %add3A_98 = arith.constant 3 : i32
      %add3A_99 = arith.addi %mul3A_36, %add3A_98 : i32
      %mul3A_100 = arith.constant 128 : i32
      %mul3A_101 = arith.muli %add3A_99, %mul3A_100 : i32
      %dma_start3A_102 = tpu.memref_slice %arg9[%mul3A_101] : memref<256xi32, #tpu.memory_space<vmem>> -> memref<128xi32, #tpu.memory_space<vmem>>
      %dma_start3A_103 = arith.constant 0 : i32
      %dma_start3A_104 = arith.constant 0 : i32
      %dma_start3A_105 = tpu.memref_slice %arg3[%dma_start3A_103, %dma_start3A_104] : memref<100000x128xf32, #tpu.memory_space<hbm>> -> memref<100000x128xf32, #tpu.memory_space<hbm>>
      tpu.enqueue_indirect_dma source(%dma_start3A_105 : memref<100000x128xf32, #tpu.memory_space<hbm>>) target(%arg11 : memref<128x128xf32, #tpu.memory_space<vmem>>) offsets(%dma_start3A_102 : memref<128xi32, #tpu.memory_space<vmem>>) semaphore(%arg13 : memref<!tpu.dma_semaphore, #tpu.memory_space<semaphore_mem>>)
    } else {
    }
    %add3A_75 = arith.constant 2 : i32
    %add3A_76 = arith.addi %mul3A_36, %add3A_75 : i32
    %ge3A = arith.constant 2 : i32
    %ge3A_77 = arith.cmpi sge, %add3A_76, %ge3A : i32
    %convert_element_type3A_78 = arith.extui %ge3A_77 : i1 to i32
    %cond3A_79 = arith.constant 0 : i32
    %cond3A_80 = arith.cmpi ne, %convert_element_type3A_78, %cond3A_79 : i32
    scf.if %cond3A_80 {
      %mul3A_89 = arith.constant 128 : i32
      %mul3A_90 = arith.muli %mul3A_36, %mul3A_89 : i32
      %add3A_91 = arith.addi %mul3A_22, %mul3A_90 : i32
      %dma_wait3A_92 = arith.constant 0 : i32
      %dma_wait3A_93 = tpu.memref_slice %arg7[%add3A_91, %dma_wait3A_92] : memref<8192x128xf32, #tpu.memory_space<hbm>> -> memref<128x128xf32, #tpu.memory_space<hbm>>
      %dma_wait3A_94 = arith.constant 0 : i32
      %dma_wait3A_95 = tpu.memref_slice %arg7[%add3A_91, %dma_wait3A_94] : memref<8192x128xf32, #tpu.memory_space<hbm>> -> memref<128x128xf32, #tpu.memory_space<hbm>>
      tpu.wait_dma2 semaphore(%arg14 : memref<!tpu.dma_semaphore, #tpu.memory_space<semaphore_mem>>) src(%arg10 : memref<128x128xf32, #tpu.memory_space<vmem>>) dst(%dma_wait3A_95 : memref<128x128xf32, #tpu.memory_space<hbm>>)
    } else {
    }
    %add3A_81 = arith.constant 3 : i32
    %add3A_82 = arith.addi %mul3A_36, %add3A_81 : i32
    %ge3A_83 = arith.constant 2 : i32
    %ge3A_84 = arith.cmpi sge, %add3A_82, %ge3A_83 : i32
    %convert_element_type3A_85 = arith.extui %ge3A_84 : i1 to i32
    %cond3A_86 = arith.constant 0 : i32
    %cond3A_87 = arith.cmpi ne, %convert_element_type3A_85, %cond3A_86 : i32
    scf.if %cond3A_87 {
      %add3A_89 = arith.constant 1 : i32
      %add3A_90 = arith.addi %mul3A_36, %add3A_89 : i32
      %mul3A_91 = arith.constant 128 : i32
      %mul3A_92 = arith.muli %add3A_90, %mul3A_91 : i32
      %add3A_93 = arith.addi %mul3A_22, %mul3A_92 : i32
      %dma_wait3A_94 = arith.constant 0 : i32
      %dma_wait3A_95 = tpu.memref_slice %arg7[%add3A_93, %dma_wait3A_94] : memref<8192x128xf32, #tpu.memory_space<hbm>> -> memref<128x128xf32, #tpu.memory_space<hbm>>
      %dma_wait3A_96 = arith.constant 0 : i32
      %dma_wait3A_97 = tpu.memref_slice %arg7[%add3A_93, %dma_wait3A_96] : memref<8192x128xf32, #tpu.memory_space<hbm>> -> memref<128x128xf32, #tpu.memory_space<hbm>>
      tpu.wait_dma2 semaphore(%arg15 : memref<!tpu.dma_semaphore, #tpu.memory_space<semaphore_mem>>) src(%arg11 : memref<128x128xf32, #tpu.memory_space<vmem>>) dst(%dma_wait3A_97 : memref<128x128xf32, #tpu.memory_space<hbm>>)
    } else {
    }
    %scan3A_88 = arith.constant 1 : i32
    return
  }
}

#map = affine_map<(d0, d1) -> (0, 0)>
#map1 = affine_map<(d0, d1) -> (0)>
module attributes {stable_mosaic.version = 14 : i64} {
  func.func @gather_kernel(%arg0: i32, %arg1: i32, %arg2: memref<100000x128xf32, #tpu.memory_space<hbm>>, %arg3: memref<100000x128xf32, #tpu.memory_space<hbm>>, %arg4: memref<196608xi32, #tpu.memory_space<hbm>>, %arg5: memref<8192xi32, #tpu.memory_space<hbm>>, %arg6: memref<196608x128xf32, #tpu.memory_space<hbm>>, %arg7: memref<8192x128xf32, #tpu.memory_space<hbm>>, %arg8: memref<6144xi32, #tpu.memory_space<vmem>>, %arg9: memref<256xi32, #tpu.memory_space<vmem>>, %arg10: memref<128x128xf32, #tpu.memory_space<vmem>>, %arg11: memref<128x128xf32, #tpu.memory_space<vmem>>, %arg12: memref<!tpu.dma_semaphore, #tpu.memory_space<semaphore_mem>>, %arg13: memref<!tpu.dma_semaphore, #tpu.memory_space<semaphore_mem>>, %arg14: memref<!tpu.dma_semaphore, #tpu.memory_space<semaphore_mem>>, %arg15: memref<!tpu.dma_semaphore, #tpu.memory_space<semaphore_mem>>) attributes {dimension_semantics = [#tpu.dimension_semantics<core_parallel>, #tpu.dimension_semantics<subcore_parallel>], iteration_bounds = array<i64: 2, 16>, scalar_prefetch = 0 : i64, scratch_operands = 8 : i64, tpu.core_type = #tpu.core_type<sc_vector_subcore>, window_params = [{transform_indices = #map}, {transform_indices = #map}, {transform_indices = #map1}, {transform_indices = #map1}, {transform_indices = #map}, {transform_indices = #map}]} {
    %mul3A = arith.constant 2 : i32
    %mul3A_0 = arith.muli %arg1, %mul3A : i32
    %add3A = arith.addi %mul3A_0, %arg0 : i32
    %mul3A_1 = arith.constant 6144 : i32
    %mul3A_2 = arith.muli %add3A, %mul3A_1 : i32
    "tpu.region"() ({
      %run_scoped3A = tpu.sem_alloc : memref<!tpu.dma_semaphore, #tpu.memory_space<semaphore_mem>>
      %dma_start3A_89 = tpu.memref_slice %arg4[%mul3A_2] : memref<196608xi32, #tpu.memory_space<hbm>> -> memref<6144xi32, #tpu.memory_space<hbm>>
      %dma_start3A_90 = tpu.memref_slice %arg4[%mul3A_2] : memref<196608xi32, #tpu.memory_space<hbm>> -> memref<6144xi32, #tpu.memory_space<hbm>>
      tpu.enqueue_dma source(%dma_start3A_90 : memref<6144xi32, #tpu.memory_space<hbm>>) target(%arg8 : memref<6144xi32, #tpu.memory_space<vmem>>) target_semaphore(%run_scoped3A : memref<!tpu.dma_semaphore, #tpu.memory_space<semaphore_mem>>)
      %dma_wait3A_91 = tpu.memref_slice %arg4[%mul3A_2] : memref<196608xi32, #tpu.memory_space<hbm>> -> memref<6144xi32, #tpu.memory_space<hbm>>
      %dma_wait3A_92 = tpu.memref_slice %arg4[%mul3A_2] : memref<196608xi32, #tpu.memory_space<hbm>> -> memref<6144xi32, #tpu.memory_space<hbm>>
      tpu.wait_dma2 semaphore(%run_scoped3A : memref<!tpu.dma_semaphore, #tpu.memory_space<semaphore_mem>>) src(%dma_wait3A_92 : memref<6144xi32, #tpu.memory_space<hbm>>) dst(%arg8 : memref<6144xi32, #tpu.memory_space<vmem>>)
      tpu.yield
    }) : () -> ()
    %mul3A_3 = arith.constant 6144 : i32
    %mul3A_4 = arith.muli %add3A, %mul3A_3 : i32
    %dma_start3A = arith.constant 0 : i32
    %dma_start3A_5 = tpu.memref_slice %arg8[%dma_start3A] : memref<6144xi32, #tpu.memory_space<vmem>> -> memref<128xi32, #tpu.memory_space<vmem>>
    %dma_start3A_6 = arith.constant 0 : i32
    %dma_start3A_7 = arith.constant 0 : i32
    %dma_start3A_8 = tpu.memref_slice %arg2[%dma_start3A_6, %dma_start3A_7] : memref<100000x128xf32, #tpu.memory_space<hbm>> -> memref<100000x128xf32, #tpu.memory_space<hbm>>
    tpu.enqueue_indirect_dma source(%dma_start3A_8 : memref<100000x128xf32, #tpu.memory_space<hbm>>) target(%arg10 : memref<128x128xf32, #tpu.memory_space<vmem>>) offsets(%dma_start3A_5 : memref<128xi32, #tpu.memory_space<vmem>>) semaphore(%arg12 : memref<!tpu.dma_semaphore, #tpu.memory_space<semaphore_mem>>)
    %dma_start3A_9 = arith.constant 128 : i32
    %dma_start3A_10 = tpu.memref_slice %arg8[%dma_start3A_9] : memref<6144xi32, #tpu.memory_space<vmem>> -> memref<128xi32, #tpu.memory_space<vmem>>
    %dma_start3A_11 = arith.constant 0 : i32
    %dma_start3A_12 = arith.constant 0 : i32
    %dma_start3A_13 = tpu.memref_slice %arg2[%dma_start3A_11, %dma_start3A_12] : memref<100000x128xf32, #tpu.memory_space<hbm>> -> memref<100000x128xf32, #tpu.memory_space<hbm>>
    tpu.enqueue_indirect_dma source(%dma_start3A_13 : memref<100000x128xf32, #tpu.memory_space<hbm>>) target(%arg11 : memref<128x128xf32, #tpu.memory_space<vmem>>) offsets(%dma_start3A_10 : memref<128xi32, #tpu.memory_space<vmem>>) semaphore(%arg13 : memref<!tpu.dma_semaphore, #tpu.memory_space<semaphore_mem>>)
    %scan3A = arith.constant 0 : i32
    %scan3A_14 = arith.constant 0 : i32
    %scan3A_15 = arith.constant 24 : i32
    %scan3A_16 = arith.addi %scan3A_14, %scan3A_15 : i32
    %scan3A_17 = arith.constant 1 : i32
    scf.for %scan3A_89 = %scan3A_14 to %scan3A_16 step %scan3A_17  : i32 {
      %mul3A_90 = arith.constant 2 : i32
      %mul3A_91 = arith.muli %scan3A_89, %mul3A_90 : i32
      %dma_wait3A_92 = arith.constant 0 : i32
      %dma_wait3A_93 = arith.constant 0 : i32
      %dma_wait3A_94 = tpu.memref_slice %arg2[%dma_wait3A_92, %dma_wait3A_93] : memref<100000x128xf32, #tpu.memory_space<hbm>> -> memref<128x128xf32, #tpu.memory_space<hbm>>
      %dma_wait3A_95 = arith.constant 0 : i32
      %dma_wait3A_96 = arith.constant 0 : i32
      %dma_wait3A_97 = tpu.memref_slice %arg2[%dma_wait3A_95, %dma_wait3A_96] : memref<100000x128xf32, #tpu.memory_space<hbm>> -> memref<128x128xf32, #tpu.memory_space<hbm>>
      tpu.wait_dma2 semaphore(%arg12 : memref<!tpu.dma_semaphore, #tpu.memory_space<semaphore_mem>>) src(%dma_wait3A_97 : memref<128x128xf32, #tpu.memory_space<hbm>>) dst(%arg10 : memref<128x128xf32, #tpu.memory_space<vmem>>)
      %mul3A_98 = arith.constant 128 : i32
      %mul3A_99 = arith.muli %mul3A_91, %mul3A_98 : i32
      %add3A_100 = arith.addi %mul3A_4, %mul3A_99 : i32
      %dma_start3A_101 = arith.constant 0 : i32
      %dma_start3A_102 = tpu.memref_slice %arg6[%add3A_100, %dma_start3A_101] : memref<196608x128xf32, #tpu.memory_space<hbm>> -> memref<128x128xf32, #tpu.memory_space<hbm>>
      %dma_start3A_103 = arith.constant 0 : i32
      %dma_start3A_104 = tpu.memref_slice %arg6[%add3A_100, %dma_start3A_103] : memref<196608x128xf32, #tpu.memory_space<hbm>> -> memref<128x128xf32, #tpu.memory_space<hbm>>
      tpu.enqueue_dma source(%arg10 : memref<128x128xf32, #tpu.memory_space<vmem>>) target(%dma_start3A_104 : memref<128x128xf32, #tpu.memory_space<hbm>>) target_semaphore(%arg14 : memref<!tpu.dma_semaphore, #tpu.memory_space<semaphore_mem>>)
      %dma_wait3A_105 = arith.constant 0 : i32
      %dma_wait3A_106 = arith.constant 0 : i32
      %dma_wait3A_107 = tpu.memref_slice %arg2[%dma_wait3A_105, %dma_wait3A_106] : memref<100000x128xf32, #tpu.memory_space<hbm>> -> memref<128x128xf32, #tpu.memory_space<hbm>>
      %dma_wait3A_108 = arith.constant 0 : i32
      %dma_wait3A_109 = arith.constant 0 : i32
      %dma_wait3A_110 = tpu.memref_slice %arg2[%dma_wait3A_108, %dma_wait3A_109] : memref<100000x128xf32, #tpu.memory_space<hbm>> -> memref<128x128xf32, #tpu.memory_space<hbm>>
      tpu.wait_dma2 semaphore(%arg13 : memref<!tpu.dma_semaphore, #tpu.memory_space<semaphore_mem>>) src(%dma_wait3A_110 : memref<128x128xf32, #tpu.memory_space<hbm>>) dst(%arg11 : memref<128x128xf32, #tpu.memory_space<vmem>>)
      %add3A_111 = arith.constant 1 : i32
      %add3A_112 = arith.addi %mul3A_91, %add3A_111 : i32
      %mul3A_113 = arith.constant 128 : i32
      %mul3A_114 = arith.muli %add3A_112, %mul3A_113 : i32
      %add3A_115 = arith.addi %mul3A_4, %mul3A_114 : i32
      %dma_start3A_116 = arith.constant 0 : i32
      %dma_start3A_117 = tpu.memref_slice %arg6[%add3A_115, %dma_start3A_116] : memref<196608x128xf32, #tpu.memory_space<hbm>> -> memref<128x128xf32, #tpu.memory_space<hbm>>
      %dma_start3A_118 = arith.constant 0 : i32
      %dma_start3A_119 = tpu.memref_slice %arg6[%add3A_115, %dma_start3A_118] : memref<196608x128xf32, #tpu.memory_space<hbm>> -> memref<128x128xf32, #tpu.memory_space<hbm>>
      tpu.enqueue_dma source(%arg11 : memref<128x128xf32, #tpu.memory_space<vmem>>) target(%dma_start3A_119 : memref<128x128xf32, #tpu.memory_space<hbm>>) target_semaphore(%arg15 : memref<!tpu.dma_semaphore, #tpu.memory_space<semaphore_mem>>)
      %add3A_120 = arith.constant 2 : i32
      %add3A_121 = arith.addi %mul3A_91, %add3A_120 : i32
      %lt3A_122 = arith.constant 48 : i32
      %lt3A_123 = arith.cmpi slt, %add3A_121, %lt3A_122 : i32
      %convert_element_type3A_124 = arith.extui %lt3A_123 : i1 to i32
      %cond3A_125 = arith.constant 0 : i32
      %cond3A_126 = arith.cmpi ne, %convert_element_type3A_124, %cond3A_125 : i32
      scf.if %cond3A_126 {
        %mul3A_148 = arith.constant 128 : i32
        %mul3A_149 = arith.muli %mul3A_91, %mul3A_148 : i32
        %add3A_150 = arith.addi %mul3A_4, %mul3A_149 : i32
        %dma_wait3A_151 = arith.constant 0 : i32
        %dma_wait3A_152 = tpu.memref_slice %arg6[%add3A_150, %dma_wait3A_151] : memref<196608x128xf32, #tpu.memory_space<hbm>> -> memref<128x128xf32, #tpu.memory_space<hbm>>
        %dma_wait3A_153 = arith.constant 0 : i32
        %dma_wait3A_154 = tpu.memref_slice %arg6[%add3A_150, %dma_wait3A_153] : memref<196608x128xf32, #tpu.memory_space<hbm>> -> memref<128x128xf32, #tpu.memory_space<hbm>>
        tpu.wait_dma2 semaphore(%arg14 : memref<!tpu.dma_semaphore, #tpu.memory_space<semaphore_mem>>) src(%arg10 : memref<128x128xf32, #tpu.memory_space<vmem>>) dst(%dma_wait3A_154 : memref<128x128xf32, #tpu.memory_space<hbm>>)
        %add3A_155 = arith.constant 2 : i32
        %add3A_156 = arith.addi %mul3A_91, %add3A_155 : i32
        %mul3A_157 = arith.constant 128 : i32
        %mul3A_158 = arith.muli %add3A_156, %mul3A_157 : i32
        %dma_start3A_159 = tpu.memref_slice %arg8[%mul3A_158] : memref<6144xi32, #tpu.memory_space<vmem>> -> memref<128xi32, #tpu.memory_space<vmem>>
        %dma_start3A_160 = arith.constant 0 : i32
        %dma_start3A_161 = arith.constant 0 : i32
        %dma_start3A_162 = tpu.memref_slice %arg2[%dma_start3A_160, %dma_start3A_161] : memref<100000x128xf32, #tpu.memory_space<hbm>> -> memref<100000x128xf32, #tpu.memory_space<hbm>>
        tpu.enqueue_indirect_dma source(%dma_start3A_162 : memref<100000x128xf32, #tpu.memory_space<hbm>>) target(%arg10 : memref<128x128xf32, #tpu.memory_space<vmem>>) offsets(%dma_start3A_159 : memref<128xi32, #tpu.memory_space<vmem>>) semaphore(%arg12 : memref<!tpu.dma_semaphore, #tpu.memory_space<semaphore_mem>>)
      } else {
      }
      %add3A_127 = arith.constant 3 : i32
      %add3A_128 = arith.addi %mul3A_91, %add3A_127 : i32
      %lt3A_129 = arith.constant 48 : i32
      %lt3A_130 = arith.cmpi slt, %add3A_128, %lt3A_129 : i32
      %convert_element_type3A_131 = arith.extui %lt3A_130 : i1 to i32
      %cond3A_132 = arith.constant 0 : i32
      %cond3A_133 = arith.cmpi ne, %convert_element_type3A_131, %cond3A_132 : i32
      scf.if %cond3A_133 {
        %add3A_148 = arith.constant 1 : i32
        %add3A_149 = arith.addi %mul3A_91, %add3A_148 : i32
        %mul3A_150 = arith.constant 128 : i32
        %mul3A_151 = arith.muli %add3A_149, %mul3A_150 : i32
        %add3A_152 = arith.addi %mul3A_4, %mul3A_151 : i32
        %dma_wait3A_153 = arith.constant 0 : i32
        %dma_wait3A_154 = tpu.memref_slice %arg6[%add3A_152, %dma_wait3A_153] : memref<196608x128xf32, #tpu.memory_space<hbm>> -> memref<128x128xf32, #tpu.memory_space<hbm>>
        %dma_wait3A_155 = arith.constant 0 : i32
        %dma_wait3A_156 = tpu.memref_slice %arg6[%add3A_152, %dma_wait3A_155] : memref<196608x128xf32, #tpu.memory_space<hbm>> -> memref<128x128xf32, #tpu.memory_space<hbm>>
        tpu.wait_dma2 semaphore(%arg15 : memref<!tpu.dma_semaphore, #tpu.memory_space<semaphore_mem>>) src(%arg11 : memref<128x128xf32, #tpu.memory_space<vmem>>) dst(%dma_wait3A_156 : memref<128x128xf32, #tpu.memory_space<hbm>>)
        %add3A_157 = arith.constant 3 : i32
        %add3A_158 = arith.addi %mul3A_91, %add3A_157 : i32
        %mul3A_159 = arith.constant 128 : i32
        %mul3A_160 = arith.muli %add3A_158, %mul3A_159 : i32
        %dma_start3A_161 = tpu.memref_slice %arg8[%mul3A_160] : memref<6144xi32, #tpu.memory_space<vmem>> -> memref<128xi32, #tpu.memory_space<vmem>>
        %dma_start3A_162 = arith.constant 0 : i32
        %dma_start3A_163 = arith.constant 0 : i32
        %dma_start3A_164 = tpu.memref_slice %arg2[%dma_start3A_162, %dma_start3A_163] : memref<100000x128xf32, #tpu.memory_space<hbm>> -> memref<100000x128xf32, #tpu.memory_space<hbm>>
        tpu.enqueue_indirect_dma source(%dma_start3A_164 : memref<100000x128xf32, #tpu.memory_space<hbm>>) target(%arg11 : memref<128x128xf32, #tpu.memory_space<vmem>>) offsets(%dma_start3A_161 : memref<128xi32, #tpu.memory_space<vmem>>) semaphore(%arg13 : memref<!tpu.dma_semaphore, #tpu.memory_space<semaphore_mem>>)
      } else {
      }
      %add3A_134 = arith.constant 2 : i32
      %add3A_135 = arith.addi %mul3A_91, %add3A_134 : i32
      %ge3A_136 = arith.constant 48 : i32
      %ge3A_137 = arith.cmpi sge, %add3A_135, %ge3A_136 : i32
      %convert_element_type3A_138 = arith.extui %ge3A_137 : i1 to i32
      %cond3A_139 = arith.constant 0 : i32
      %cond3A_140 = arith.cmpi ne, %convert_element_type3A_138, %cond3A_139 : i32
      scf.if %cond3A_140 {
        %mul3A_148 = arith.constant 128 : i32
        %mul3A_149 = arith.muli %mul3A_91, %mul3A_148 : i32
        %add3A_150 = arith.addi %mul3A_4, %mul3A_149 : i32
        %dma_wait3A_151 = arith.constant 0 : i32
        %dma_wait3A_152 = tpu.memref_slice %arg6[%add3A_150, %dma_wait3A_151] : memref<196608x128xf32, #tpu.memory_space<hbm>> -> memref<128x128xf32, #tpu.memory_space<hbm>>
        %dma_wait3A_153 = arith.constant 0 : i32
        %dma_wait3A_154 = tpu.memref_slice %arg6[%add3A_150, %dma_wait3A_153] : memref<196608x128xf32, #tpu.memory_space<hbm>> -> memref<128x128xf32, #tpu.memory_space<hbm>>
        tpu.wait_dma2 semaphore(%arg14 : memref<!tpu.dma_semaphore, #tpu.memory_space<semaphore_mem>>) src(%arg10 : memref<128x128xf32, #tpu.memory_space<vmem>>) dst(%dma_wait3A_154 : memref<128x128xf32, #tpu.memory_space<hbm>>)
      } else {
      }
      %add3A_141 = arith.constant 3 : i32
      %add3A_142 = arith.addi %mul3A_91, %add3A_141 : i32
      %ge3A_143 = arith.constant 48 : i32
      %ge3A_144 = arith.cmpi sge, %add3A_142, %ge3A_143 : i32
      %convert_element_type3A_145 = arith.extui %ge3A_144 : i1 to i32
      %cond3A_146 = arith.constant 0 : i32
      %cond3A_147 = arith.cmpi ne, %convert_element_type3A_145, %cond3A_146 : i32
      scf.if %cond3A_147 {
        %add3A_148 = arith.constant 1 : i32
        %add3A_149 = arith.addi %mul3A_91, %add3A_148 : i32
        %mul3A_150 = arith.constant 128 : i32
        %mul3A_151 = arith.muli %add3A_149, %mul3A_150 : i32
        %add3A_152 = arith.addi %mul3A_4, %mul3A_151 : i32
        %dma_wait3A_153 = arith.constant 0 : i32
        %dma_wait3A_154 = tpu.memref_slice %arg6[%add3A_152, %dma_wait3A_153] : memref<196608x128xf32, #tpu.memory_space<hbm>> -> memref<128x128xf32, #tpu.memory_space<hbm>>
        %dma_wait3A_155 = arith.constant 0 : i32
        %dma_wait3A_156 = tpu.memref_slice %arg6[%add3A_152, %dma_wait3A_155] : memref<196608x128xf32, #tpu.memory_space<hbm>> -> memref<128x128xf32, #tpu.memory_space<hbm>>
        tpu.wait_dma2 semaphore(%arg15 : memref<!tpu.dma_semaphore, #tpu.memory_space<semaphore_mem>>) src(%arg11 : memref<128x128xf32, #tpu.memory_space<vmem>>) dst(%dma_wait3A_156 : memref<128x128xf32, #tpu.memory_space<hbm>>)
      } else {
      }
    }
    %scan3A_18 = arith.constant 24 : i32
    %mul3A_19 = arith.constant 256 : i32
    %mul3A_20 = arith.muli %add3A, %mul3A_19 : i32
    "tpu.region"() ({
      %run_scoped3A = tpu.sem_alloc : memref<!tpu.dma_semaphore, #tpu.memory_space<semaphore_mem>>
      %dma_start3A_89 = tpu.memref_slice %arg5[%mul3A_20] : memref<8192xi32, #tpu.memory_space<hbm>> -> memref<256xi32, #tpu.memory_space<hbm>>
      %dma_start3A_90 = tpu.memref_slice %arg5[%mul3A_20] : memref<8192xi32, #tpu.memory_space<hbm>> -> memref<256xi32, #tpu.memory_space<hbm>>
      tpu.enqueue_dma source(%dma_start3A_90 : memref<256xi32, #tpu.memory_space<hbm>>) target(%arg9 : memref<256xi32, #tpu.memory_space<vmem>>) target_semaphore(%run_scoped3A : memref<!tpu.dma_semaphore, #tpu.memory_space<semaphore_mem>>)
      %dma_wait3A_91 = tpu.memref_slice %arg5[%mul3A_20] : memref<8192xi32, #tpu.memory_space<hbm>> -> memref<256xi32, #tpu.memory_space<hbm>>
      %dma_wait3A_92 = tpu.memref_slice %arg5[%mul3A_20] : memref<8192xi32, #tpu.memory_space<hbm>> -> memref<256xi32, #tpu.memory_space<hbm>>
      tpu.wait_dma2 semaphore(%run_scoped3A : memref<!tpu.dma_semaphore, #tpu.memory_space<semaphore_mem>>) src(%dma_wait3A_92 : memref<256xi32, #tpu.memory_space<hbm>>) dst(%arg9 : memref<256xi32, #tpu.memory_space<vmem>>)
      tpu.yield
    }) : () -> ()
    %mul3A_21 = arith.constant 256 : i32
    %mul3A_22 = arith.muli %add3A, %mul3A_21 : i32
    %dma_start3A_23 = arith.constant 0 : i32
    %dma_start3A_24 = tpu.memref_slice %arg9[%dma_start3A_23] : memref<256xi32, #tpu.memory_space<vmem>> -> memref<128xi32, #tpu.memory_space<vmem>>
    %dma_start3A_25 = arith.constant 0 : i32
    %dma_start3A_26 = arith.constant 0 : i32
    %dma_start3A_27 = tpu.memref_slice %arg3[%dma_start3A_25, %dma_start3A_26] : memref<100000x128xf32, #tpu.memory_space<hbm>> -> memref<100000x128xf32, #tpu.memory_space<hbm>>
    tpu.enqueue_indirect_dma source(%dma_start3A_27 : memref<100000x128xf32, #tpu.memory_space<hbm>>) target(%arg10 : memref<128x128xf32, #tpu.memory_space<vmem>>) offsets(%dma_start3A_24 : memref<128xi32, #tpu.memory_space<vmem>>) semaphore(%arg12 : memref<!tpu.dma_semaphore, #tpu.memory_space<semaphore_mem>>)
    %dma_start3A_28 = arith.constant 128 : i32
    %dma_start3A_29 = tpu.memref_slice %arg9[%dma_start3A_28] : memref<256xi32, #tpu.memory_space<vmem>> -> memref<128xi32, #tpu.memory_space<vmem>>
    %dma_start3A_30 = arith.constant 0 : i32
    %dma_start3A_31 = arith.constant 0 : i32
    %dma_start3A_32 = tpu.memref_slice %arg3[%dma_start3A_30, %dma_start3A_31] : memref<100000x128xf32, #tpu.memory_space<hbm>> -> memref<100000x128xf32, #tpu.memory_space<hbm>>
    tpu.enqueue_indirect_dma source(%dma_start3A_32 : memref<100000x128xf32, #tpu.memory_space<hbm>>) target(%arg11 : memref<128x128xf32, #tpu.memory_space<vmem>>) offsets(%dma_start3A_29 : memref<128xi32, #tpu.memory_space<vmem>>) semaphore(%arg13 : memref<!tpu.dma_semaphore, #tpu.memory_space<semaphore_mem>>)
    %scan3A_33 = arith.constant 0 : i32
    %scan3A_34 = arith.constant 0 : i32
    %mul3A_35 = arith.constant 2 : i32
    %mul3A_36 = arith.muli %scan3A_34, %mul3A_35 : i32
    %dma_wait3A = arith.constant 0 : i32
    %dma_wait3A_37 = arith.constant 0 : i32
    %dma_wait3A_38 = tpu.memref_slice %arg3[%dma_wait3A, %dma_wait3A_37] : memref<100000x128xf32, #tpu.memory_space<hbm>> -> memref<128x128xf32, #tpu.memory_space<hbm>>
    %dma_wait3A_39 = arith.constant 0 : i32
    %dma_wait3A_40 = arith.constant 0 : i32
    %dma_wait3A_41 = tpu.memref_slice %arg3[%dma_wait3A_39, %dma_wait3A_40] : memref<100000x128xf32, #tpu.memory_space<hbm>> -> memref<128x128xf32, #tpu.memory_space<hbm>>
    tpu.wait_dma2 semaphore(%arg12 : memref<!tpu.dma_semaphore, #tpu.memory_space<semaphore_mem>>) src(%dma_wait3A_41 : memref<128x128xf32, #tpu.memory_space<hbm>>) dst(%arg10 : memref<128x128xf32, #tpu.memory_space<vmem>>)
    %mul3A_42 = arith.constant 128 : i32
    %mul3A_43 = arith.muli %mul3A_36, %mul3A_42 : i32
    %add3A_44 = arith.addi %mul3A_22, %mul3A_43 : i32
    %dma_start3A_45 = arith.constant 0 : i32
    %dma_start3A_46 = tpu.memref_slice %arg7[%add3A_44, %dma_start3A_45] : memref<8192x128xf32, #tpu.memory_space<hbm>> -> memref<128x128xf32, #tpu.memory_space<hbm>>
    %dma_start3A_47 = arith.constant 0 : i32
    %dma_start3A_48 = tpu.memref_slice %arg7[%add3A_44, %dma_start3A_47] : memref<8192x128xf32, #tpu.memory_space<hbm>> -> memref<128x128xf32, #tpu.memory_space<hbm>>
    tpu.enqueue_dma source(%arg10 : memref<128x128xf32, #tpu.memory_space<vmem>>) target(%dma_start3A_48 : memref<128x128xf32, #tpu.memory_space<hbm>>) target_semaphore(%arg14 : memref<!tpu.dma_semaphore, #tpu.memory_space<semaphore_mem>>)
    %dma_wait3A_49 = arith.constant 0 : i32
    %dma_wait3A_50 = arith.constant 0 : i32
    %dma_wait3A_51 = tpu.memref_slice %arg3[%dma_wait3A_49, %dma_wait3A_50] : memref<100000x128xf32, #tpu.memory_space<hbm>> -> memref<128x128xf32, #tpu.memory_space<hbm>>
    %dma_wait3A_52 = arith.constant 0 : i32
    %dma_wait3A_53 = arith.constant 0 : i32
    %dma_wait3A_54 = tpu.memref_slice %arg3[%dma_wait3A_52, %dma_wait3A_53] : memref<100000x128xf32, #tpu.memory_space<hbm>> -> memref<128x128xf32, #tpu.memory_space<hbm>>
    tpu.wait_dma2 semaphore(%arg13 : memref<!tpu.dma_semaphore, #tpu.memory_space<semaphore_mem>>) src(%dma_wait3A_54 : memref<128x128xf32, #tpu.memory_space<hbm>>) dst(%arg11 : memref<128x128xf32, #tpu.memory_space<vmem>>)
    %add3A_55 = arith.constant 1 : i32
    %add3A_56 = arith.addi %mul3A_36, %add3A_55 : i32
    %mul3A_57 = arith.constant 128 : i32
    %mul3A_58 = arith.muli %add3A_56, %mul3A_57 : i32
    %add3A_59 = arith.addi %mul3A_22, %mul3A_58 : i32
    %dma_start3A_60 = arith.constant 0 : i32
    %dma_start3A_61 = tpu.memref_slice %arg7[%add3A_59, %dma_start3A_60] : memref<8192x128xf32, #tpu.memory_space<hbm>> -> memref<128x128xf32, #tpu.memory_space<hbm>>
    %dma_start3A_62 = arith.constant 0 : i32
    %dma_start3A_63 = tpu.memref_slice %arg7[%add3A_59, %dma_start3A_62] : memref<8192x128xf32, #tpu.memory_space<hbm>> -> memref<128x128xf32, #tpu.memory_space<hbm>>
    tpu.enqueue_dma source(%arg11 : memref<128x128xf32, #tpu.memory_space<vmem>>) target(%dma_start3A_63 : memref<128x128xf32, #tpu.memory_space<hbm>>) target_semaphore(%arg15 : memref<!tpu.dma_semaphore, #tpu.memory_space<semaphore_mem>>)
    %add3A_64 = arith.constant 2 : i32
    %add3A_65 = arith.addi %mul3A_36, %add3A_64 : i32
    %lt3A = arith.constant 2 : i32
    %lt3A_66 = arith.cmpi slt, %add3A_65, %lt3A : i32
    %convert_element_type3A = arith.extui %lt3A_66 : i1 to i32
    %cond3A = arith.constant 0 : i32
    %cond3A_67 = arith.cmpi ne, %convert_element_type3A, %cond3A : i32
    scf.if %cond3A_67 {
      %mul3A_89 = arith.constant 128 : i32
      %mul3A_90 = arith.muli %mul3A_36, %mul3A_89 : i32
      %add3A_91 = arith.addi %mul3A_22, %mul3A_90 : i32
      %dma_wait3A_92 = arith.constant 0 : i32
      %dma_wait3A_93 = tpu.memref_slice %arg7[%add3A_91, %dma_wait3A_92] : memref<8192x128xf32, #tpu.memory_space<hbm>> -> memref<128x128xf32, #tpu.memory_space<hbm>>
      %dma_wait3A_94 = arith.constant 0 : i32
      %dma_wait3A_95 = tpu.memref_slice %arg7[%add3A_91, %dma_wait3A_94] : memref<8192x128xf32, #tpu.memory_space<hbm>> -> memref<128x128xf32, #tpu.memory_space<hbm>>
      tpu.wait_dma2 semaphore(%arg14 : memref<!tpu.dma_semaphore, #tpu.memory_space<semaphore_mem>>) src(%arg10 : memref<128x128xf32, #tpu.memory_space<vmem>>) dst(%dma_wait3A_95 : memref<128x128xf32, #tpu.memory_space<hbm>>)
      %add3A_96 = arith.constant 2 : i32
      %add3A_97 = arith.addi %mul3A_36, %add3A_96 : i32
      %mul3A_98 = arith.constant 128 : i32
      %mul3A_99 = arith.muli %add3A_97, %mul3A_98 : i32
      %dma_start3A_100 = tpu.memref_slice %arg9[%mul3A_99] : memref<256xi32, #tpu.memory_space<vmem>> -> memref<128xi32, #tpu.memory_space<vmem>>
      %dma_start3A_101 = arith.constant 0 : i32
      %dma_start3A_102 = arith.constant 0 : i32
      %dma_start3A_103 = tpu.memref_slice %arg3[%dma_start3A_101, %dma_start3A_102] : memref<100000x128xf32, #tpu.memory_space<hbm>> -> memref<100000x128xf32, #tpu.memory_space<hbm>>
      tpu.enqueue_indirect_dma source(%dma_start3A_103 : memref<100000x128xf32, #tpu.memory_space<hbm>>) target(%arg10 : memref<128x128xf32, #tpu.memory_space<vmem>>) offsets(%dma_start3A_100 : memref<128xi32, #tpu.memory_space<vmem>>) semaphore(%arg12 : memref<!tpu.dma_semaphore, #tpu.memory_space<semaphore_mem>>)
    } else {
    }
    %add3A_68 = arith.constant 3 : i32
    %add3A_69 = arith.addi %mul3A_36, %add3A_68 : i32
    %lt3A_70 = arith.constant 2 : i32
    %lt3A_71 = arith.cmpi slt, %add3A_69, %lt3A_70 : i32
    %convert_element_type3A_72 = arith.extui %lt3A_71 : i1 to i32
    %cond3A_73 = arith.constant 0 : i32
    %cond3A_74 = arith.cmpi ne, %convert_element_type3A_72, %cond3A_73 : i32
    scf.if %cond3A_74 {
      %add3A_89 = arith.constant 1 : i32
      %add3A_90 = arith.addi %mul3A_36, %add3A_89 : i32
      %mul3A_91 = arith.constant 128 : i32
      %mul3A_92 = arith.muli %add3A_90, %mul3A_91 : i32
      %add3A_93 = arith.addi %mul3A_22, %mul3A_92 : i32
      %dma_wait3A_94 = arith.constant 0 : i32
      %dma_wait3A_95 = tpu.memref_slice %arg7[%add3A_93, %dma_wait3A_94] : memref<8192x128xf32, #tpu.memory_space<hbm>> -> memref<128x128xf32, #tpu.memory_space<hbm>>
      %dma_wait3A_96 = arith.constant 0 : i32
      %dma_wait3A_97 = tpu.memref_slice %arg7[%add3A_93, %dma_wait3A_96] : memref<8192x128xf32, #tpu.memory_space<hbm>> -> memref<128x128xf32, #tpu.memory_space<hbm>>
      tpu.wait_dma2 semaphore(%arg15 : memref<!tpu.dma_semaphore, #tpu.memory_space<semaphore_mem>>) src(%arg11 : memref<128x128xf32, #tpu.memory_space<vmem>>) dst(%dma_wait3A_97 : memref<128x128xf32, #tpu.memory_space<hbm>>)
      %add3A_98 = arith.constant 3 : i32
      %add3A_99 = arith.addi %mul3A_36, %add3A_98 : i32
      %mul3A_100 = arith.constant 128 : i32
      %mul3A_101 = arith.muli %add3A_99, %mul3A_100 : i32
      %dma_start3A_102 = tpu.memref_slice %arg9[%mul3A_101] : memref<256xi32, #tpu.memory_space<vmem>> -> memref<128xi32, #tpu.memory_space<vmem>>
      %dma_start3A_103 = arith.constant 0 : i32
      %dma_start3A_104 = arith.constant 0 : i32
      %dma_start3A_105 = tpu.memref_slice %arg3[%dma_start3A_103, %dma_start3A_104] : memref<100000x128xf32, #tpu.memory_space<hbm>> -> memref<100000x128xf32, #tpu.memory_space<hbm>>
      tpu.enqueue_indirect_dma source(%dma_start3A_105 : memref<100000x128xf32, #tpu.memory_space<hbm>>) target(%arg11 : memref<128x128xf32, #tpu.memory_space<vmem>>) offsets(%dma_start3A_102 : memref<128xi32, #tpu.memory_space<vmem>>) semaphore(%arg13 : memref<!tpu.dma_semaphore, #tpu.memory_space<semaphore_mem>>)
    } else {
    }
    %add3A_75 = arith.constant 2 : i32
    %add3A_76 = arith.addi %mul3A_36, %add3A_75 : i32
    %ge3A = arith.constant 2 : i32
    %ge3A_77 = arith.cmpi sge, %add3A_76, %ge3A : i32
    %convert_element_type3A_78 = arith.extui %ge3A_77 : i1 to i32
    %cond3A_79 = arith.constant 0 : i32
    %cond3A_80 = arith.cmpi ne, %convert_element_type3A_78, %cond3A_79 : i32
    scf.if %cond3A_80 {
      %mul3A_89 = arith.constant 128 : i32
      %mul3A_90 = arith.muli %mul3A_36, %mul3A_89 : i32
      %add3A_91 = arith.addi %mul3A_22, %mul3A_90 : i32
      %dma_wait3A_92 = arith.constant 0 : i32
      %dma_wait3A_93 = tpu.memref_slice %arg7[%add3A_91, %dma_wait3A_92] : memref<8192x128xf32, #tpu.memory_space<hbm>> -> memref<128x128xf32, #tpu.memory_space<hbm>>
      %dma_wait3A_94 = arith.constant 0 : i32
      %dma_wait3A_95 = tpu.memref_slice %arg7[%add3A_91, %dma_wait3A_94] : memref<8192x128xf32, #tpu.memory_space<hbm>> -> memref<128x128xf32, #tpu.memory_space<hbm>>
      tpu.wait_dma2 semaphore(%arg14 : memref<!tpu.dma_semaphore, #tpu.memory_space<semaphore_mem>>) src(%arg10 : memref<128x128xf32, #tpu.memory_space<vmem>>) dst(%dma_wait3A_95 : memref<128x128xf32, #tpu.memory_space<hbm>>)
    } else {
    }
    %add3A_81 = arith.constant 3 : i32
    %add3A_82 = arith.addi %mul3A_36, %add3A_81 : i32
    %ge3A_83 = arith.constant 2 : i32
    %ge3A_84 = arith.cmpi sge, %add3A_82, %ge3A_83 : i32
    %convert_element_type3A_85 = arith.extui %ge3A_84 : i1 to i32
    %cond3A_86 = arith.constant 0 : i32
    %cond3A_87 = arith.cmpi ne, %convert_element_type3A_85, %cond3A_86 : i32
    scf.if %cond3A_87 {
      %add3A_89 = arith.constant 1 : i32
      %add3A_90 = arith.addi %mul3A_36, %add3A_89 : i32
      %mul3A_91 = arith.constant 128 : i32
      %mul3A_92 = arith.muli %add3A_90, %mul3A_91 : i32
      %add3A_93 = arith.addi %mul3A_22, %mul3A_92 : i32
      %dma_wait3A_94 = arith.constant 0 : i32
      %dma_wait3A_95 = tpu.memref_slice %arg7[%add3A_93, %dma_wait3A_94] : memref<8192x128xf32, #tpu.memory_space<hbm>> -> memref<128x128xf32, #tpu.memory_space<hbm>>
      %dma_wait3A_96 = arith.constant 0 : i32
      %dma_wait3A_97 = tpu.memref_slice %arg7[%add3A_93, %dma_wait3A_96] : memref<8192x128xf32, #tpu.memory_space<hbm>> -> memref<128x128xf32, #tpu.memory_space<hbm>>
      tpu.wait_dma2 semaphore(%arg15 : memref<!tpu.dma_semaphore, #tpu.memory_space<semaphore_mem>>) src(%arg11 : memref<128x128xf32, #tpu.memory_space<vmem>>) dst(%dma_wait3A_97 : memref<128x128xf32, #tpu.memory_space<hbm>>)
    } else {
    }
    %scan3A_88 = arith.constant 1 : i32
    return
  }
}

module attributes {stable_mosaic.version = 14 : i64} {
  func.func @_attn_body(%arg0: i32, %arg1: memref<512x128xf32, #tpu.memory_space<vmem>>, %arg2: memref<24x512x128xf32, #tpu.memory_space<vmem>>, %arg3: memref<512x128xf32, #tpu.memory_space<vmem>>, %arg4: memref<128x128xf32, #tpu.memory_space<vmem>>, %arg5: memref<1x128xf32, #tpu.memory_space<vmem>>, %arg6: memref<128x128xf32, #tpu.memory_space<vmem>>, %arg7: memref<1x128xf32, #tpu.memory_space<vmem>>, %arg8: memref<128x128xf32, #tpu.memory_space<vmem>>, %arg9: memref<128x128xf32, #tpu.memory_space<vmem>>, %arg10: memref<1x128xf32, #tpu.memory_space<vmem>>, %arg11: memref<1x128xf32, #tpu.memory_space<vmem>>, %arg12: memref<512x128xf32, #tpu.memory_space<vmem>>, %arg13: memref<512x128xf32, #tpu.memory_space<vmem>>) attributes {dimension_semantics = [#tpu.dimension_semantics<arbitrary>], iteration_bounds = array<i64: 17>, scalar_prefetch = 0 : i64, scratch_operands = 0 : i64, tpu.core_type = #tpu.core_type<tc>, window_params = [{transform_indices = @transform_0, window_bounds = array<i64: 512, 128>}, {transform_indices = @transform_1, window_bounds = array<i64: 24, 512, 128>}, {transform_indices = @transform_2, window_bounds = array<i64: 512, 128>}, {pipeline_mode = #tpu.pipeline_mode<synchronous>, transform_indices = @transform_3, window_bounds = array<i64: 128, 128>}, {pipeline_mode = #tpu.pipeline_mode<synchronous>, transform_indices = @transform_4, window_bounds = array<i64: 1, 128>}, {pipeline_mode = #tpu.pipeline_mode<synchronous>, transform_indices = @transform_5, window_bounds = array<i64: 128, 128>}, {pipeline_mode = #tpu.pipeline_mode<synchronous>, transform_indices = @transform_6, window_bounds = array<i64: 1, 128>}, {pipeline_mode = #tpu.pipeline_mode<synchronous>, transform_indices = @transform_7, window_bounds = array<i64: 128, 128>}, {pipeline_mode = #tpu.pipeline_mode<synchronous>, transform_indices = @transform_8, window_bounds = array<i64: 128, 128>}, {pipeline_mode = #tpu.pipeline_mode<synchronous>, transform_indices = @transform_9, window_bounds = array<i64: 1, 128>}, {pipeline_mode = #tpu.pipeline_mode<synchronous>, transform_indices = @transform_10, window_bounds = array<i64: 1, 128>}, {transform_indices = @transform_11, window_bounds = array<i64: 512, 128>}, {transform_indices = @transform_12, window_bounds = array<i64: 512, 128>}]} {
    %eq3A = arith.constant 0 : i32
    %eq3A_0 = arith.cmpi eq, %arg0, %eq3A : i32
    %convert_element_type3A = arith.extui %eq3A_0 : i1 to i32
    %cond3A = arith.constant 0 : i32
    %cond3A_1 = arith.cmpi ne, %convert_element_type3A, %cond3A : i32
    scf.if %cond3A_1 {
      %broadcast_in_dim3A = arith.constant 0.000000e+00 : f32
      %broadcast_in_dim3A_6 = vector.broadcast %broadcast_in_dim3A : f32 to vector<512x128xf32>
      %swap3A = arith.constant 0 : index
      %swap3A_7 = arith.constant 0 : index
      %swap3A_8 = vector.load %arg13[%swap3A, %swap3A_7] : memref<512x128xf32, #tpu.memory_space<vmem>>, vector<512x128xf32>
      tpu.vector_store %arg13[%swap3A, %swap3A_7], %broadcast_in_dim3A_6 {strides = array<i32>} : memref<512x128xf32, #tpu.memory_space<vmem>>, vector<512x128xf32>,
    } else {
    }
    %gt3A = arith.constant 0 : i32
    %gt3A_2 = arith.cmpi sgt, %arg0, %gt3A : i32
    %convert_element_type3A_3 = arith.extui %gt3A_2 : i1 to i32
    %cond3A_4 = arith.constant 0 : i32
    %cond3A_5 = arith.cmpi ne, %convert_element_type3A_3, %cond3A_4 : i32
    scf.if %cond3A_5 {
      %get3A = arith.constant 0 : index
      %get3A_6 = arith.constant 0 : index
      %get3A_7 = vector.load %arg1[%get3A, %get3A_6] : memref<512x128xf32, #tpu.memory_space<vmem>>, vector<512x128xf32>
      %get3A_8 = arith.constant 0 : index
      %get3A_9 = arith.constant 0 : index
      %get3A_10 = vector.load %arg6[%get3A_8, %get3A_9] : memref<128x128xf32, #tpu.memory_space<vmem>>, vector<128x128xf32>
      %get3A_11 = arith.constant 0 : index
      %get3A_12 = arith.constant 0 : index
      %get3A_13 = vector.load %arg7[%get3A_11, %get3A_12] : memref<1x128xf32, #tpu.memory_space<vmem>>, vector<1x128xf32>
      %get3A_14 = arith.constant 0 : index
      %get3A_15 = arith.constant 0 : index
      %get3A_16 = vector.load %arg8[%get3A_14, %get3A_15] : memref<128x128xf32, #tpu.memory_space<vmem>>, vector<128x128xf32>
      %get3A_17 = arith.constant 0 : index
      %get3A_18 = arith.constant 0 : index
      %get3A_19 = vector.load %arg4[%get3A_17, %get3A_18] : memref<128x128xf32, #tpu.memory_space<vmem>>, vector<128x128xf32>
      %dot_general3A = arith.constant dense<0.000000e+00> : vector<512x128xf32>
      %dot_general3A_20 = tpu.matmul %get3A_7, %get3A_19, %dot_general3A {dimension_numbers = #tpu.dot_dimension_numbers<[1], [0], [0], [1], [0, 0, 1, 1], [], []>, transpose_lhs_hint = false} : vector<512x128xf32>, vector<128x128xf32>, vector<512x128xf32> -> vector<512x128xf32>
      %get3A_21 = arith.constant 0 : index
      %get3A_22 = arith.constant 0 : index
      %get3A_23 = vector.load %arg5[%get3A_21, %get3A_22] : memref<1x128xf32, #tpu.memory_space<vmem>>, vector<1x128xf32>
      %add3A = vector.broadcast %get3A_23 : vector<1x128xf32> to vector<512x128xf32>
      %add3A_24 = arith.addf %dot_general3A_20, %add3A : vector<512x128xf32>
      %swap3A = arith.constant 0 : index
      %swap3A_25 = arith.constant 0 : index
      %swap3A_26 = vector.load %arg12[%swap3A, %swap3A_25] : memref<512x128xf32, #tpu.memory_space<vmem>>, vector<512x128xf32>
      tpu.vector_store %arg12[%swap3A, %swap3A_25], %add3A_24 {strides = array<i32>} : memref<512x128xf32, #tpu.memory_space<vmem>>, vector<512x128xf32>,
      %get3A_27 = arith.constant 0 : index
      %get3A_28 = arith.constant 0 : index
      %get3A_29 = vector.load %arg3[%get3A_27, %get3A_28] : memref<512x128xf32, #tpu.memory_space<vmem>>, vector<512x128xf32>
      %add3A_30 = arith.addf %add3A_24, %get3A_29 : vector<512x128xf32>
      %get3A_31 = arith.constant 0 : index
      %get3A_32 = arith.constant 0 : index
      %get3A_33 = vector.load %arg9[%get3A_31, %get3A_32] : memref<128x128xf32, #tpu.memory_space<vmem>>, vector<128x128xf32>
      %dot_general3A_34 = arith.constant dense<0.000000e+00> : vector<512x128xf32>
      %dot_general3A_35 = tpu.matmul %add3A_30, %get3A_33, %dot_general3A_34 {dimension_numbers = #tpu.dot_dimension_numbers<[1], [0], [0], [1], [0, 0, 1, 1], [], []>, transpose_lhs_hint = false} : vector<512x128xf32>, vector<128x128xf32>, vector<512x128xf32> -> vector<512x128xf32>
      %get3A_36 = arith.constant 0 : index
      %get3A_37 = arith.constant 0 : index
      %get3A_38 = vector.load %arg10[%get3A_36, %get3A_37] : memref<1x128xf32, #tpu.memory_space<vmem>>, vector<1x128xf32>
      %add3A_39 = vector.broadcast %get3A_38 : vector<1x128xf32> to vector<512x128xf32>
      %add3A_40 = arith.addf %dot_general3A_35, %add3A_39 : vector<512x128xf32>
      %dot_general3A_41 = arith.constant dense<0.000000e+00> : vector<1x128xf32>
      %dot_general3A_42 = tpu.matmul %get3A_13, %get3A_16, %dot_general3A_41 {dimension_numbers = #tpu.dot_dimension_numbers<[1], [0], [0], [1], [0, 0, 1, 1], [], []>, transpose_lhs_hint = false} : vector<1x128xf32>, vector<128x128xf32>, vector<1x128xf32> -> vector<1x128xf32>
      %add3A_43 = vector.broadcast %dot_general3A_42 : vector<1x128xf32> to vector<512x128xf32>
      %add3A_44 = arith.addf %add3A_40, %add3A_43 : vector<512x128xf32>
      %dot_general3A_45 = arith.constant dense<0.000000e+00> : vector<128x128xf32>
      %dot_general3A_46 = tpu.matmul %get3A_10, %get3A_16, %dot_general3A_45 {dimension_numbers = #tpu.dot_dimension_numbers<[1], [0], [0], [1], [0, 0, 1, 1], [], []>, transpose_lhs_hint = false} : vector<128x128xf32>, vector<128x128xf32>, vector<128x128xf32> -> vector<128x128xf32>
      %get3A_47 = arith.constant 0 : index
      %get3A_48 = arith.constant 0 : index
      %get3A_49 = vector.load %arg11[%get3A_47, %get3A_48] : memref<1x128xf32, #tpu.memory_space<vmem>>, vector<1x128xf32>
      %get3A_50 = arith.constant 0 : index
      %get3A_51 = arith.constant 0 : index
      %get3A_52 = arith.constant 0 : index
      %get3A_53 = vector.load %arg2[%get3A_50, %get3A_51, %get3A_52] : memref<24x512x128xf32, #tpu.memory_space<vmem>>, vector<24x512x128xf32>
      %reshape3A = vector.shape_cast %get3A_53 : vector<24x512x128xf32> to vector<12288x128xf32>
      %broadcast_in_dim3A = vector.shape_cast %add3A_44 : vector<512x128xf32> to vector<1x512x128xf32>
      %broadcast_in_dim3A_54 = vector.shape_cast %broadcast_in_dim3A : vector<1x512x128xf32> to vector<1x512x128xf32>
      %broadcast_in_dim3A_55 = vector.broadcast %broadcast_in_dim3A_54 : vector<1x512x128xf32> to vector<24x512x128xf32>
      %reshape3A_56 = vector.shape_cast %broadcast_in_dim3A_55 : vector<24x512x128xf32> to vector<12288x128xf32>
      %dot_general3A_57 = arith.constant dense<0.000000e+00> : vector<12288x128xf32>
      %dot_general3A_58 = tpu.matmul %reshape3A, %dot_general3A_46, %dot_general3A_57 {dimension_numbers = #tpu.dot_dimension_numbers<[1], [0], [0], [1], [0, 0, 1, 1], [], []>, transpose_lhs_hint = false} : vector<12288x128xf32>, vector<128x128xf32>, vector<12288x128xf32> -> vector<12288x128xf32>
      %add3A_59 = arith.addf %dot_general3A_58, %reshape3A_56 : vector<12288x128xf32>
      %max3A = arith.constant 0.000000e+00 : f32
      %max3A_60 = vector.broadcast %max3A : f32 to vector<12288x128xf32>
      %max3A_61 = arith.maximumf %add3A_59, %max3A_60 : vector<12288x128xf32>
      %slice3A = vector.extract_strided_slice %max3A_61 {offsets = [0, 0], sizes = [512, 128], strides = [1, 1]} : vector<12288x128xf32> to vector<512x128xf32>
      %dot_general3A_62 = arith.constant dense<0.000000e+00> : vector<1x512xf32>
      %dot_general3A_63 = tpu.matmul %get3A_49, %slice3A, %dot_general3A_62 {dimension_numbers = #tpu.dot_dimension_numbers<[1], [1], [0], [0], [0, 0, 1, 0], [], []>, transpose_lhs_hint = false} : vector<1x128xf32>, vector<512x128xf32>, vector<1x512xf32> -> vector<1x512xf32>
      %slice3A_64 = vector.extract_strided_slice %max3A_61 {offsets = [512, 0], sizes = [512, 128], strides = [1, 1]} : vector<12288x128xf32> to vector<512x128xf32>
      %dot_general3A_65 = arith.constant dense<0.000000e+00> : vector<1x512xf32>
      %dot_general3A_66 = tpu.matmul %get3A_49, %slice3A_64, %dot_general3A_65 {dimension_numbers = #tpu.dot_dimension_numbers<[1], [1], [0], [0], [0, 0, 1, 0], [], []>, transpose_lhs_hint = false} : vector<1x128xf32>, vector<512x128xf32>, vector<1x512xf32> -> vector<1x512xf32>
      %slice3A_67 = vector.extract_strided_slice %max3A_61 {offsets = [1024, 0], sizes = [512, 128], strides = [1, 1]} : vector<12288x128xf32> to vector<512x128xf32>
      %dot_general3A_68 = arith.constant dense<0.000000e+00> : vector<1x512xf32>
      %dot_general3A_69 = tpu.matmul %get3A_49, %slice3A_67, %dot_general3A_68 {dimension_numbers = #tpu.dot_dimension_numbers<[1], [1], [0], [0], [0, 0, 1, 0], [], []>, transpose_lhs_hint = false} : vector<1x128xf32>, vector<512x128xf32>, vector<1x512xf32> -> vector<1x512xf32>
      %slice3A_70 = vector.extract_strided_slice %max3A_61 {offsets = [1536, 0], sizes = [512, 128], strides = [1, 1]} : vector<12288x128xf32> to vector<512x128xf32>
      %dot_general3A_71 = arith.constant dense<0.000000e+00> : vector<1x512xf32>
      %dot_general3A_72 = tpu.matmul %get3A_49, %slice3A_70, %dot_general3A_71 {dimension_numbers = #tpu.dot_dimension_numbers<[1], [1], [0], [0], [0, 0, 1, 0], [], []>, transpose_lhs_hint = false} : vector<1x128xf32>, vector<512x128xf32>, vector<1x512xf32> -> vector<1x512xf32>
      %slice3A_73 = vector.extract_strided_slice %max3A_61 {offsets = [2048, 0], sizes = [512, 128], strides = [1, 1]} : vector<12288x128xf32> to vector<512x128xf32>
      %dot_general3A_74 = arith.constant dense<0.000000e+00> : vector<1x512xf32>
      %dot_general3A_75 = tpu.matmul %get3A_49, %slice3A_73, %dot_general3A_74 {dimension_numbers = #tpu.dot_dimension_numbers<[1], [1], [0], [0], [0, 0, 1, 0], [], []>, transpose_lhs_hint = false} : vector<1x128xf32>, vector<512x128xf32>, vector<1x512xf32> -> vector<1x512xf32>
      %slice3A_76 = vector.extract_strided_slice %max3A_61 {offsets = [2560, 0], sizes = [512, 128], strides = [1, 1]} : vector<12288x128xf32> to vector<512x128xf32>
      %dot_general3A_77 = arith.constant dense<0.000000e+00> : vector<1x512xf32>
      %dot_general3A_78 = tpu.matmul %get3A_49, %slice3A_76, %dot_general3A_77 {dimension_numbers = #tpu.dot_dimension_numbers<[1], [1], [0], [0], [0, 0, 1, 0], [], []>, transpose_lhs_hint = false} : vector<1x128xf32>, vector<512x128xf32>, vector<1x512xf32> -> vector<1x512xf32>
      %slice3A_79 = vector.extract_strided_slice %max3A_61 {offsets = [3072, 0], sizes = [512, 128], strides = [1, 1]} : vector<12288x128xf32> to vector<512x128xf32>
      %dot_general3A_80 = arith.constant dense<0.000000e+00> : vector<1x512xf32>
      %dot_general3A_81 = tpu.matmul %get3A_49, %slice3A_79, %dot_general3A_80 {dimension_numbers = #tpu.dot_dimension_numbers<[1], [1], [0], [0], [0, 0, 1, 0], [], []>, transpose_lhs_hint = false} : vector<1x128xf32>, vector<512x128xf32>, vector<1x512xf32> -> vector<1x512xf32>
      %slice3A_82 = vector.extract_strided_slice %max3A_61 {offsets = [3584, 0], sizes = [512, 128], strides = [1, 1]} : vector<12288x128xf32> to vector<512x128xf32>
      %dot_general3A_83 = arith.constant dense<0.000000e+00> : vector<1x512xf32>
      %dot_general3A_84 = tpu.matmul %get3A_49, %slice3A_82, %dot_general3A_83 {dimension_numbers = #tpu.dot_dimension_numbers<[1], [1], [0], [0], [0, 0, 1, 0], [], []>, transpose_lhs_hint = false} : vector<1x128xf32>, vector<512x128xf32>, vector<1x512xf32> -> vector<1x512xf32>
      %slice3A_85 = vector.extract_strided_slice %max3A_61 {offsets = [4096, 0], sizes = [512, 128], strides = [1, 1]} : vector<12288x128xf32> to vector<512x128xf32>
      %dot_general3A_86 = arith.constant dense<0.000000e+00> : vector<1x512xf32>
      %dot_general3A_87 = tpu.matmul %get3A_49, %slice3A_85, %dot_general3A_86 {dimension_numbers = #tpu.dot_dimension_numbers<[1], [1], [0], [0], [0, 0, 1, 0], [], []>, transpose_lhs_hint = false} : vector<1x128xf32>, vector<512x128xf32>, vector<1x512xf32> -> vector<1x512xf32>
      %slice3A_88 = vector.extract_strided_slice %max3A_61 {offsets = [4608, 0], sizes = [512, 128], strides = [1, 1]} : vector<12288x128xf32> to vector<512x128xf32>
      %dot_general3A_89 = arith.constant dense<0.000000e+00> : vector<1x512xf32>
      %dot_general3A_90 = tpu.matmul %get3A_49, %slice3A_88, %dot_general3A_89 {dimension_numbers = #tpu.dot_dimension_numbers<[1], [1], [0], [0], [0, 0, 1, 0], [], []>, transpose_lhs_hint = false} : vector<1x128xf32>, vector<512x128xf32>, vector<1x512xf32> -> vector<1x512xf32>
      %slice3A_91 = vector.extract_strided_slice %max3A_61 {offsets = [5120, 0], sizes = [512, 128], strides = [1, 1]} : vector<12288x128xf32> to vector<512x128xf32>
      %dot_general3A_92 = arith.constant dense<0.000000e+00> : vector<1x512xf32>
      %dot_general3A_93 = tpu.matmul %get3A_49, %slice3A_91, %dot_general3A_92 {dimension_numbers = #tpu.dot_dimension_numbers<[1], [1], [0], [0], [0, 0, 1, 0], [], []>, transpose_lhs_hint = false} : vector<1x128xf32>, vector<512x128xf32>, vector<1x512xf32> -> vector<1x512xf32>
      %slice3A_94 = vector.extract_strided_slice %max3A_61 {offsets = [5632, 0], sizes = [512, 128], strides = [1, 1]} : vector<12288x128xf32> to vector<512x128xf32>
      %dot_general3A_95 = arith.constant dense<0.000000e+00> : vector<1x512xf32>
      %dot_general3A_96 = tpu.matmul %get3A_49, %slice3A_94, %dot_general3A_95 {dimension_numbers = #tpu.dot_dimension_numbers<[1], [1], [0], [0], [0, 0, 1, 0], [], []>, transpose_lhs_hint = false} : vector<1x128xf32>, vector<512x128xf32>, vector<1x512xf32> -> vector<1x512xf32>
      %slice3A_97 = vector.extract_strided_slice %max3A_61 {offsets = [6144, 0], sizes = [512, 128], strides = [1, 1]} : vector<12288x128xf32> to vector<512x128xf32>
      %dot_general3A_98 = arith.constant dense<0.000000e+00> : vector<1x512xf32>
      %dot_general3A_99 = tpu.matmul %get3A_49, %slice3A_97, %dot_general3A_98 {dimension_numbers = #tpu.dot_dimension_numbers<[1], [1], [0], [0], [0, 0, 1, 0], [], []>, transpose_lhs_hint = false} : vector<1x128xf32>, vector<512x128xf32>, vector<1x512xf32> -> vector<1x512xf32>
      %slice3A_100 = vector.extract_strided_slice %max3A_61 {offsets = [6656, 0], sizes = [512, 128], strides = [1, 1]} : vector<12288x128xf32> to vector<512x128xf32>
      %dot_general3A_101 = arith.constant dense<0.000000e+00> : vector<1x512xf32>
      %dot_general3A_102 = tpu.matmul %get3A_49, %slice3A_100, %dot_general3A_101 {dimension_numbers = #tpu.dot_dimension_numbers<[1], [1], [0], [0], [0, 0, 1, 0], [], []>, transpose_lhs_hint = false} : vector<1x128xf32>, vector<512x128xf32>, vector<1x512xf32> -> vector<1x512xf32>
      %slice3A_103 = vector.extract_strided_slice %max3A_61 {offsets = [7168, 0], sizes = [512, 128], strides = [1, 1]} : vector<12288x128xf32> to vector<512x128xf32>
      %dot_general3A_104 = arith.constant dense<0.000000e+00> : vector<1x512xf32>
      %dot_general3A_105 = tpu.matmul %get3A_49, %slice3A_103, %dot_general3A_104 {dimension_numbers = #tpu.dot_dimension_numbers<[1], [1], [0], [0], [0, 0, 1, 0], [], []>, transpose_lhs_hint = false} : vector<1x128xf32>, vector<512x128xf32>, vector<1x512xf32> -> vector<1x512xf32>
      %slice3A_106 = vector.extract_strided_slice %max3A_61 {offsets = [7680, 0], sizes = [512, 128], strides = [1, 1]} : vector<12288x128xf32> to vector<512x128xf32>
      %dot_general3A_107 = arith.constant dense<0.000000e+00> : vector<1x512xf32>
      %dot_general3A_108 = tpu.matmul %get3A_49, %slice3A_106, %dot_general3A_107 {dimension_numbers = #tpu.dot_dimension_numbers<[1], [1], [0], [0], [0, 0, 1, 0], [], []>, transpose_lhs_hint = false} : vector<1x128xf32>, vector<512x128xf32>, vector<1x512xf32> -> vector<1x512xf32>
      %slice3A_109 = vector.extract_strided_slice %max3A_61 {offsets = [8192, 0], sizes = [512, 128], strides = [1, 1]} : vector<12288x128xf32> to vector<512x128xf32>
      %dot_general3A_110 = arith.constant dense<0.000000e+00> : vector<1x512xf32>
      %dot_general3A_111 = tpu.matmul %get3A_49, %slice3A_109, %dot_general3A_110 {dimension_numbers = #tpu.dot_dimension_numbers<[1], [1], [0], [0], [0, 0, 1, 0], [], []>, transpose_lhs_hint = false} : vector<1x128xf32>, vector<512x128xf32>, vector<1x512xf32> -> vector<1x512xf32>
      %slice3A_112 = vector.extract_strided_slice %max3A_61 {offsets = [8704, 0], sizes = [512, 128], strides = [1, 1]} : vector<12288x128xf32> to vector<512x128xf32>
      %dot_general3A_113 = arith.constant dense<0.000000e+00> : vector<1x512xf32>
      %dot_general3A_114 = tpu.matmul %get3A_49, %slice3A_112, %dot_general3A_113 {dimension_numbers = #tpu.dot_dimension_numbers<[1], [1], [0], [0], [0, 0, 1, 0], [], []>, transpose_lhs_hint = false} : vector<1x128xf32>, vector<512x128xf32>, vector<1x512xf32> -> vector<1x512xf32>
      %slice3A_115 = vector.extract_strided_slice %max3A_61 {offsets = [9216, 0], sizes = [512, 128], strides = [1, 1]} : vector<12288x128xf32> to vector<512x128xf32>
      %dot_general3A_116 = arith.constant dense<0.000000e+00> : vector<1x512xf32>
      %dot_general3A_117 = tpu.matmul %get3A_49, %slice3A_115, %dot_general3A_116 {dimension_numbers = #tpu.dot_dimension_numbers<[1], [1], [0], [0], [0, 0, 1, 0], [], []>, transpose_lhs_hint = false} : vector<1x128xf32>, vector<512x128xf32>, vector<1x512xf32> -> vector<1x512xf32>
      %slice3A_118 = vector.extract_strided_slice %max3A_61 {offsets = [9728, 0], sizes = [512, 128], strides = [1, 1]} : vector<12288x128xf32> to vector<512x128xf32>
      %dot_general3A_119 = arith.constant dense<0.000000e+00> : vector<1x512xf32>
      %dot_general3A_120 = tpu.matmul %get3A_49, %slice3A_118, %dot_general3A_119 {dimension_numbers = #tpu.dot_dimension_numbers<[1], [1], [0], [0], [0, 0, 1, 0], [], []>, transpose_lhs_hint = false} : vector<1x128xf32>, vector<512x128xf32>, vector<1x512xf32> -> vector<1x512xf32>
      %slice3A_121 = vector.extract_strided_slice %max3A_61 {offsets = [10240, 0], sizes = [512, 128], strides = [1, 1]} : vector<12288x128xf32> to vector<512x128xf32>
      %dot_general3A_122 = arith.constant dense<0.000000e+00> : vector<1x512xf32>
      %dot_general3A_123 = tpu.matmul %get3A_49, %slice3A_121, %dot_general3A_122 {dimension_numbers = #tpu.dot_dimension_numbers<[1], [1], [0], [0], [0, 0, 1, 0], [], []>, transpose_lhs_hint = false} : vector<1x128xf32>, vector<512x128xf32>, vector<1x512xf32> -> vector<1x512xf32>
      %slice3A_124 = vector.extract_strided_slice %max3A_61 {offsets = [10752, 0], sizes = [512, 128], strides = [1, 1]} : vector<12288x128xf32> to vector<512x128xf32>
      %dot_general3A_125 = arith.constant dense<0.000000e+00> : vector<1x512xf32>
      %dot_general3A_126 = tpu.matmul %get3A_49, %slice3A_124, %dot_general3A_125 {dimension_numbers = #tpu.dot_dimension_numbers<[1], [1], [0], [0], [0, 0, 1, 0], [], []>, transpose_lhs_hint = false} : vector<1x128xf32>, vector<512x128xf32>, vector<1x512xf32> -> vector<1x512xf32>
      %slice3A_127 = vector.extract_strided_slice %max3A_61 {offsets = [11264, 0], sizes = [512, 128], strides = [1, 1]} : vector<12288x128xf32> to vector<512x128xf32>
      %dot_general3A_128 = arith.constant dense<0.000000e+00> : vector<1x512xf32>
      %dot_general3A_129 = tpu.matmul %get3A_49, %slice3A_127, %dot_general3A_128 {dimension_numbers = #tpu.dot_dimension_numbers<[1], [1], [0], [0], [0, 0, 1, 0], [], []>, transpose_lhs_hint = false} : vector<1x128xf32>, vector<512x128xf32>, vector<1x512xf32> -> vector<1x512xf32>
      %slice3A_130 = vector.extract_strided_slice %max3A_61 {offsets = [11776, 0], sizes = [512, 128], strides = [1, 1]} : vector<12288x128xf32> to vector<512x128xf32>
      %dot_general3A_131 = arith.constant dense<0.000000e+00> : vector<1x512xf32>
      %dot_general3A_132 = tpu.matmul %get3A_49, %slice3A_130, %dot_general3A_131 {dimension_numbers = #tpu.dot_dimension_numbers<[1], [1], [0], [0], [0, 0, 1, 0], [], []>, transpose_lhs_hint = false} : vector<1x128xf32>, vector<512x128xf32>, vector<1x512xf32> -> vector<1x512xf32>
      %concatenate3A = tpu.concatenate %dot_general3A_63, %dot_general3A_66, %dot_general3A_69, %dot_general3A_72, %dot_general3A_75, %dot_general3A_78, %dot_general3A_81, %dot_general3A_84, %dot_general3A_87, %dot_general3A_90, %dot_general3A_93, %dot_general3A_96, %dot_general3A_99, %dot_general3A_102, %dot_general3A_105, %dot_general3A_108, %dot_general3A_111, %dot_general3A_114, %dot_general3A_117, %dot_general3A_120, %dot_general3A_123, %dot_general3A_126, %dot_general3A_129, %dot_general3A_132 in 0 : vector<1x512xf32>, vector<1x512xf32>, vector<1x512xf32>, vector<1x512xf32>, vector<1x512xf32>, vector<1x512xf32>, vector<1x512xf32>, vector<1x512xf32>, vector<1x512xf32>, vector<1x512xf32>, vector<1x512xf32>, vector<1x512xf32>, vector<1x512xf32>, vector<1x512xf32>, vector<1x512xf32>, vector<1x512xf32>, vector<1x512xf32>, vector<1x512xf32>, vector<1x512xf32>, vector<1x512xf32>, vector<1x512xf32>, vector<1x512xf32>, vector<1x512xf32>, vector<1x512xf32> -> vector<24x512xf32>
      %reduce_max3A = arith.constant dense<0xFF800000> : vector<512xf32>
      %reduce_max3A_133 = vector.multi_reduction <maximumf>, %concatenate3A, %reduce_max3A [0] : vector<24x512xf32> to vector<512xf32>
      %broadcast_in_dim3A_134 = vector.shape_cast %reduce_max3A_133 : vector<512xf32> to vector<1x512xf32>
      %sub3A = vector.broadcast %broadcast_in_dim3A_134 : vector<1x512xf32> to vector<24x512xf32>
      %sub3A_135 = arith.subf %concatenate3A, %sub3A : vector<24x512xf32>
      %exp3A = math.exp %sub3A_135 : vector<24x512xf32>
      %reduce_sum3A = arith.constant dense<0.000000e+00> : vector<512xf32>
      %reduce_sum3A_136 = vector.multi_reduction <add>, %exp3A, %reduce_sum3A [0] : vector<24x512xf32> to vector<512xf32>
      %broadcast_in_dim3A_137 = vector.shape_cast %reduce_sum3A_136 : vector<512xf32> to vector<1x512xf32>
      %div3A = vector.broadcast %broadcast_in_dim3A_137 : vector<1x512xf32> to vector<24x512xf32>
      %div3A_138 = arith.divf %exp3A, %div3A : vector<24x512xf32>
      %iota3A = tpu.iota {dimensions = array<i32: 0>} : vector<24x24xi32>
      %iota3A_139 = tpu.iota {dimensions = array<i32: 1>} : vector<24x24xi32>
      %eq3A_140 = arith.cmpi eq, %iota3A, %iota3A_139 : vector<24x24xi32>
      %convert_element_type3A_141 = arith.extui %eq3A_140 : vector<24x24xi1> to vector<24x24xi32>
      %convert_element_type3A_142 = arith.sitofp %convert_element_type3A_141 : vector<24x24xi32> to vector<24x24xf32>
      %dot_general3A_143 = arith.constant dense<0.000000e+00> : vector<512x24xf32>
      %dot_general3A_144 = tpu.matmul %div3A_138, %convert_element_type3A_142, %dot_general3A_143 {dimension_numbers = #tpu.dot_dimension_numbers<[0], [0], [1], [1], [0, 1, 1, 1], [], []>, transpose_lhs_hint = false} : vector<24x512xf32>, vector<24x24xf32>, vector<512x24xf32> -> vector<512x24xf32>
      %slice3A_145 = vector.extract_strided_slice %dot_general3A_144 {offsets = [0, 0], sizes = [512, 1], strides = [1, 1]} : vector<512x24xf32> to vector<512x1xf32>
      %get3A_146 = arith.constant 0 : index
      %get3A_147 = arith.constant 0 : index
      %get3A_148 = arith.constant 0 : index
      %get3A_149 = vector.load %arg2[%get3A_146, %get3A_147, %get3A_148] : memref<24x512x128xf32, #tpu.memory_space<vmem>>, vector<1x512x128xf32>
      %get3A_150 = vector.shape_cast %get3A_149 : vector<1x512x128xf32> to vector<512x128xf32>
      %mul3A = vector.broadcast %slice3A_145 : vector<512x1xf32> to vector<512x128xf32>
      %mul3A_151 = arith.mulf %mul3A, %get3A_150 : vector<512x128xf32>
      %slice3A_152 = vector.extract_strided_slice %dot_general3A_144 {offsets = [0, 1], sizes = [512, 1], strides = [1, 1]} : vector<512x24xf32> to vector<512x1xf32>
      %get3A_153 = arith.constant 1 : index
      %get3A_154 = arith.constant 0 : index
      %get3A_155 = arith.constant 0 : index
      %get3A_156 = vector.load %arg2[%get3A_153, %get3A_154, %get3A_155] : memref<24x512x128xf32, #tpu.memory_space<vmem>>, vector<1x512x128xf32>
      %get3A_157 = vector.shape_cast %get3A_156 : vector<1x512x128xf32> to vector<512x128xf32>
      %mul3A_158 = vector.broadcast %slice3A_152 : vector<512x1xf32> to vector<512x128xf32>
      %mul3A_159 = arith.mulf %mul3A_158, %get3A_157 : vector<512x128xf32>
      %add3A_160 = arith.addf %mul3A_151, %mul3A_159 : vector<512x128xf32>
      %slice3A_161 = vector.extract_strided_slice %dot_general3A_144 {offsets = [0, 2], sizes = [512, 1], strides = [1, 1]} : vector<512x24xf32> to vector<512x1xf32>
      %get3A_162 = arith.constant 2 : index
      %get3A_163 = arith.constant 0 : index
      %get3A_164 = arith.constant 0 : index
      %get3A_165 = vector.load %arg2[%get3A_162, %get3A_163, %get3A_164] : memref<24x512x128xf32, #tpu.memory_space<vmem>>, vector<1x512x128xf32>
      %get3A_166 = vector.shape_cast %get3A_165 : vector<1x512x128xf32> to vector<512x128xf32>
      %mul3A_167 = vector.broadcast %slice3A_161 : vector<512x1xf32> to vector<512x128xf32>
      %mul3A_168 = arith.mulf %mul3A_167, %get3A_166 : vector<512x128xf32>
      %add3A_169 = arith.addf %add3A_160, %mul3A_168 : vector<512x128xf32>
      %slice3A_170 = vector.extract_strided_slice %dot_general3A_144 {offsets = [0, 3], sizes = [512, 1], strides = [1, 1]} : vector<512x24xf32> to vector<512x1xf32>
      %get3A_171 = arith.constant 3 : index
      %get3A_172 = arith.constant 0 : index
      %get3A_173 = arith.constant 0 : index
      %get3A_174 = vector.load %arg2[%get3A_171, %get3A_172, %get3A_173] : memref<24x512x128xf32, #tpu.memory_space<vmem>>, vector<1x512x128xf32>
      %get3A_175 = vector.shape_cast %get3A_174 : vector<1x512x128xf32> to vector<512x128xf32>
      %mul3A_176 = vector.broadcast %slice3A_170 : vector<512x1xf32> to vector<512x128xf32>
      %mul3A_177 = arith.mulf %mul3A_176, %get3A_175 : vector<512x128xf32>
      %add3A_178 = arith.addf %add3A_169, %mul3A_177 : vector<512x128xf32>
      %slice3A_179 = vector.extract_strided_slice %dot_general3A_144 {offsets = [0, 4], sizes = [512, 1], strides = [1, 1]} : vector<512x24xf32> to vector<512x1xf32>
      %get3A_180 = arith.constant 4 : index
      %get3A_181 = arith.constant 0 : index
      %get3A_182 = arith.constant 0 : index
      %get3A_183 = vector.load %arg2[%get3A_180, %get3A_181, %get3A_182] : memref<24x512x128xf32, #tpu.memory_space<vmem>>, vector<1x512x128xf32>
      %get3A_184 = vector.shape_cast %get3A_183 : vector<1x512x128xf32> to vector<512x128xf32>
      %mul3A_185 = vector.broadcast %slice3A_179 : vector<512x1xf32> to vector<512x128xf32>
      %mul3A_186 = arith.mulf %mul3A_185, %get3A_184 : vector<512x128xf32>
      %add3A_187 = arith.addf %add3A_178, %mul3A_186 : vector<512x128xf32>
      %slice3A_188 = vector.extract_strided_slice %dot_general3A_144 {offsets = [0, 5], sizes = [512, 1], strides = [1, 1]} : vector<512x24xf32> to vector<512x1xf32>
      %get3A_189 = arith.constant 5 : index
      %get3A_190 = arith.constant 0 : index
      %get3A_191 = arith.constant 0 : index
      %get3A_192 = vector.load %arg2[%get3A_189, %get3A_190, %get3A_191] : memref<24x512x128xf32, #tpu.memory_space<vmem>>, vector<1x512x128xf32>
      %get3A_193 = vector.shape_cast %get3A_192 : vector<1x512x128xf32> to vector<512x128xf32>
      %mul3A_194 = vector.broadcast %slice3A_188 : vector<512x1xf32> to vector<512x128xf32>
      %mul3A_195 = arith.mulf %mul3A_194, %get3A_193 : vector<512x128xf32>
      %add3A_196 = arith.addf %add3A_187, %mul3A_195 : vector<512x128xf32>
      %slice3A_197 = vector.extract_strided_slice %dot_general3A_144 {offsets = [0, 6], sizes = [512, 1], strides = [1, 1]} : vector<512x24xf32> to vector<512x1xf32>
      %get3A_198 = arith.constant 6 : index
      %get3A_199 = arith.constant 0 : index
      %get3A_200 = arith.constant 0 : index
      %get3A_201 = vector.load %arg2[%get3A_198, %get3A_199, %get3A_200] : memref<24x512x128xf32, #tpu.memory_space<vmem>>, vector<1x512x128xf32>
      %get3A_202 = vector.shape_cast %get3A_201 : vector<1x512x128xf32> to vector<512x128xf32>
      %mul3A_203 = vector.broadcast %slice3A_197 : vector<512x1xf32> to vector<512x128xf32>
      %mul3A_204 = arith.mulf %mul3A_203, %get3A_202 : vector<512x128xf32>
      %add3A_205 = arith.addf %add3A_196, %mul3A_204 : vector<512x128xf32>
      %slice3A_206 = vector.extract_strided_slice %dot_general3A_144 {offsets = [0, 7], sizes = [512, 1], strides = [1, 1]} : vector<512x24xf32> to vector<512x1xf32>
      %get3A_207 = arith.constant 7 : index
      %get3A_208 = arith.constant 0 : index
      %get3A_209 = arith.constant 0 : index
      %get3A_210 = vector.load %arg2[%get3A_207, %get3A_208, %get3A_209] : memref<24x512x128xf32, #tpu.memory_space<vmem>>, vector<1x512x128xf32>
      %get3A_211 = vector.shape_cast %get3A_210 : vector<1x512x128xf32> to vector<512x128xf32>
      %mul3A_212 = vector.broadcast %slice3A_206 : vector<512x1xf32> to vector<512x128xf32>
      %mul3A_213 = arith.mulf %mul3A_212, %get3A_211 : vector<512x128xf32>
      %add3A_214 = arith.addf %add3A_205, %mul3A_213 : vector<512x128xf32>
      %slice3A_215 = vector.extract_strided_slice %dot_general3A_144 {offsets = [0, 8], sizes = [512, 1], strides = [1, 1]} : vector<512x24xf32> to vector<512x1xf32>
      %get3A_216 = arith.constant 8 : index
      %get3A_217 = arith.constant 0 : index
      %get3A_218 = arith.constant 0 : index
      %get3A_219 = vector.load %arg2[%get3A_216, %get3A_217, %get3A_218] : memref<24x512x128xf32, #tpu.memory_space<vmem>>, vector<1x512x128xf32>
      %get3A_220 = vector.shape_cast %get3A_219 : vector<1x512x128xf32> to vector<512x128xf32>
      %mul3A_221 = vector.broadcast %slice3A_215 : vector<512x1xf32> to vector<512x128xf32>
      %mul3A_222 = arith.mulf %mul3A_221, %get3A_220 : vector<512x128xf32>
      %add3A_223 = arith.addf %add3A_214, %mul3A_222 : vector<512x128xf32>
      %slice3A_224 = vector.extract_strided_slice %dot_general3A_144 {offsets = [0, 9], sizes = [512, 1], strides = [1, 1]} : vector<512x24xf32> to vector<512x1xf32>
      %get3A_225 = arith.constant 9 : index
      %get3A_226 = arith.constant 0 : index
      %get3A_227 = arith.constant 0 : index
      %get3A_228 = vector.load %arg2[%get3A_225, %get3A_226, %get3A_227] : memref<24x512x128xf32, #tpu.memory_space<vmem>>, vector<1x512x128xf32>
      %get3A_229 = vector.shape_cast %get3A_228 : vector<1x512x128xf32> to vector<512x128xf32>
      %mul3A_230 = vector.broadcast %slice3A_224 : vector<512x1xf32> to vector<512x128xf32>
      %mul3A_231 = arith.mulf %mul3A_230, %get3A_229 : vector<512x128xf32>
      %add3A_232 = arith.addf %add3A_223, %mul3A_231 : vector<512x128xf32>
      %slice3A_233 = vector.extract_strided_slice %dot_general3A_144 {offsets = [0, 10], sizes = [512, 1], strides = [1, 1]} : vector<512x24xf32> to vector<512x1xf32>
      %get3A_234 = arith.constant 10 : index
      %get3A_235 = arith.constant 0 : index
      %get3A_236 = arith.constant 0 : index
      %get3A_237 = vector.load %arg2[%get3A_234, %get3A_235, %get3A_236] : memref<24x512x128xf32, #tpu.memory_space<vmem>>, vector<1x512x128xf32>
      %get3A_238 = vector.shape_cast %get3A_237 : vector<1x512x128xf32> to vector<512x128xf32>
      %mul3A_239 = vector.broadcast %slice3A_233 : vector<512x1xf32> to vector<512x128xf32>
      %mul3A_240 = arith.mulf %mul3A_239, %get3A_238 : vector<512x128xf32>
      %add3A_241 = arith.addf %add3A_232, %mul3A_240 : vector<512x128xf32>
      %slice3A_242 = vector.extract_strided_slice %dot_general3A_144 {offsets = [0, 11], sizes = [512, 1], strides = [1, 1]} : vector<512x24xf32> to vector<512x1xf32>
      %get3A_243 = arith.constant 11 : index
      %get3A_244 = arith.constant 0 : index
      %get3A_245 = arith.constant 0 : index
      %get3A_246 = vector.load %arg2[%get3A_243, %get3A_244, %get3A_245] : memref<24x512x128xf32, #tpu.memory_space<vmem>>, vector<1x512x128xf32>
      %get3A_247 = vector.shape_cast %get3A_246 : vector<1x512x128xf32> to vector<512x128xf32>
      %mul3A_248 = vector.broadcast %slice3A_242 : vector<512x1xf32> to vector<512x128xf32>
      %mul3A_249 = arith.mulf %mul3A_248, %get3A_247 : vector<512x128xf32>
      %add3A_250 = arith.addf %add3A_241, %mul3A_249 : vector<512x128xf32>
      %slice3A_251 = vector.extract_strided_slice %dot_general3A_144 {offsets = [0, 12], sizes = [512, 1], strides = [1, 1]} : vector<512x24xf32> to vector<512x1xf32>
      %get3A_252 = arith.constant 12 : index
      %get3A_253 = arith.constant 0 : index
      %get3A_254 = arith.constant 0 : index
      %get3A_255 = vector.load %arg2[%get3A_252, %get3A_253, %get3A_254] : memref<24x512x128xf32, #tpu.memory_space<vmem>>, vector<1x512x128xf32>
      %get3A_256 = vector.shape_cast %get3A_255 : vector<1x512x128xf32> to vector<512x128xf32>
      %mul3A_257 = vector.broadcast %slice3A_251 : vector<512x1xf32> to vector<512x128xf32>
      %mul3A_258 = arith.mulf %mul3A_257, %get3A_256 : vector<512x128xf32>
      %add3A_259 = arith.addf %add3A_250, %mul3A_258 : vector<512x128xf32>
      %slice3A_260 = vector.extract_strided_slice %dot_general3A_144 {offsets = [0, 13], sizes = [512, 1], strides = [1, 1]} : vector<512x24xf32> to vector<512x1xf32>
      %get3A_261 = arith.constant 13 : index
      %get3A_262 = arith.constant 0 : index
      %get3A_263 = arith.constant 0 : index
      %get3A_264 = vector.load %arg2[%get3A_261, %get3A_262, %get3A_263] : memref<24x512x128xf32, #tpu.memory_space<vmem>>, vector<1x512x128xf32>
      %get3A_265 = vector.shape_cast %get3A_264 : vector<1x512x128xf32> to vector<512x128xf32>
      %mul3A_266 = vector.broadcast %slice3A_260 : vector<512x1xf32> to vector<512x128xf32>
      %mul3A_267 = arith.mulf %mul3A_266, %get3A_265 : vector<512x128xf32>
      %add3A_268 = arith.addf %add3A_259, %mul3A_267 : vector<512x128xf32>
      %slice3A_269 = vector.extract_strided_slice %dot_general3A_144 {offsets = [0, 14], sizes = [512, 1], strides = [1, 1]} : vector<512x24xf32> to vector<512x1xf32>
      %get3A_270 = arith.constant 14 : index
      %get3A_271 = arith.constant 0 : index
      %get3A_272 = arith.constant 0 : index
      %get3A_273 = vector.load %arg2[%get3A_270, %get3A_271, %get3A_272] : memref<24x512x128xf32, #tpu.memory_space<vmem>>, vector<1x512x128xf32>
      %get3A_274 = vector.shape_cast %get3A_273 : vector<1x512x128xf32> to vector<512x128xf32>
      %mul3A_275 = vector.broadcast %slice3A_269 : vector<512x1xf32> to vector<512x128xf32>
      %mul3A_276 = arith.mulf %mul3A_275, %get3A_274 : vector<512x128xf32>
      %add3A_277 = arith.addf %add3A_268, %mul3A_276 : vector<512x128xf32>
      %slice3A_278 = vector.extract_strided_slice %dot_general3A_144 {offsets = [0, 15], sizes = [512, 1], strides = [1, 1]} : vector<512x24xf32> to vector<512x1xf32>
      %get3A_279 = arith.constant 15 : index
      %get3A_280 = arith.constant 0 : index
      %get3A_281 = arith.constant 0 : index
      %get3A_282 = vector.load %arg2[%get3A_279, %get3A_280, %get3A_281] : memref<24x512x128xf32, #tpu.memory_space<vmem>>, vector<1x512x128xf32>
      %get3A_283 = vector.shape_cast %get3A_282 : vector<1x512x128xf32> to vector<512x128xf32>
      %mul3A_284 = vector.broadcast %slice3A_278 : vector<512x1xf32> to vector<512x128xf32>
      %mul3A_285 = arith.mulf %mul3A_284, %get3A_283 : vector<512x128xf32>
      %add3A_286 = arith.addf %add3A_277, %mul3A_285 : vector<512x128xf32>
      %slice3A_287 = vector.extract_strided_slice %dot_general3A_144 {offsets = [0, 16], sizes = [512, 1], strides = [1, 1]} : vector<512x24xf32> to vector<512x1xf32>
      %get3A_288 = arith.constant 16 : index
      %get3A_289 = arith.constant 0 : index
      %get3A_290 = arith.constant 0 : index
      %get3A_291 = vector.load %arg2[%get3A_288, %get3A_289, %get3A_290] : memref<24x512x128xf32, #tpu.memory_space<vmem>>, vector<1x512x128xf32>
      %get3A_292 = vector.shape_cast %get3A_291 : vector<1x512x128xf32> to vector<512x128xf32>
      %mul3A_293 = vector.broadcast %slice3A_287 : vector<512x1xf32> to vector<512x128xf32>
      %mul3A_294 = arith.mulf %mul3A_293, %get3A_292 : vector<512x128xf32>
      %add3A_295 = arith.addf %add3A_286, %mul3A_294 : vector<512x128xf32>
      %slice3A_296 = vector.extract_strided_slice %dot_general3A_144 {offsets = [0, 17], sizes = [512, 1], strides = [1, 1]} : vector<512x24xf32> to vector<512x1xf32>
      %get3A_297 = arith.constant 17 : index
      %get3A_298 = arith.constant 0 : index
      %get3A_299 = arith.constant 0 : index
      %get3A_300 = vector.load %arg2[%get3A_297, %get3A_298, %get3A_299] : memref<24x512x128xf32, #tpu.memory_space<vmem>>, vector<1x512x128xf32>
      %get3A_301 = vector.shape_cast %get3A_300 : vector<1x512x128xf32> to vector<512x128xf32>
      %mul3A_302 = vector.broadcast %slice3A_296 : vector<512x1xf32> to vector<512x128xf32>
      %mul3A_303 = arith.mulf %mul3A_302, %get3A_301 : vector<512x128xf32>
      %add3A_304 = arith.addf %add3A_295, %mul3A_303 : vector<512x128xf32>
      %slice3A_305 = vector.extract_strided_slice %dot_general3A_144 {offsets = [0, 18], sizes = [512, 1], strides = [1, 1]} : vector<512x24xf32> to vector<512x1xf32>
      %get3A_306 = arith.constant 18 : index
      %get3A_307 = arith.constant 0 : index
      %get3A_308 = arith.constant 0 : index
      %get3A_309 = vector.load %arg2[%get3A_306, %get3A_307, %get3A_308] : memref<24x512x128xf32, #tpu.memory_space<vmem>>, vector<1x512x128xf32>
      %get3A_310 = vector.shape_cast %get3A_309 : vector<1x512x128xf32> to vector<512x128xf32>
      %mul3A_311 = vector.broadcast %slice3A_305 : vector<512x1xf32> to vector<512x128xf32>
      %mul3A_312 = arith.mulf %mul3A_311, %get3A_310 : vector<512x128xf32>
      %add3A_313 = arith.addf %add3A_304, %mul3A_312 : vector<512x128xf32>
      %slice3A_314 = vector.extract_strided_slice %dot_general3A_144 {offsets = [0, 19], sizes = [512, 1], strides = [1, 1]} : vector<512x24xf32> to vector<512x1xf32>
      %get3A_315 = arith.constant 19 : index
      %get3A_316 = arith.constant 0 : index
      %get3A_317 = arith.constant 0 : index
      %get3A_318 = vector.load %arg2[%get3A_315, %get3A_316, %get3A_317] : memref<24x512x128xf32, #tpu.memory_space<vmem>>, vector<1x512x128xf32>
      %get3A_319 = vector.shape_cast %get3A_318 : vector<1x512x128xf32> to vector<512x128xf32>
      %mul3A_320 = vector.broadcast %slice3A_314 : vector<512x1xf32> to vector<512x128xf32>
      %mul3A_321 = arith.mulf %mul3A_320, %get3A_319 : vector<512x128xf32>
      %add3A_322 = arith.addf %add3A_313, %mul3A_321 : vector<512x128xf32>
      %slice3A_323 = vector.extract_strided_slice %dot_general3A_144 {offsets = [0, 20], sizes = [512, 1], strides = [1, 1]} : vector<512x24xf32> to vector<512x1xf32>
      %get3A_324 = arith.constant 20 : index
      %get3A_325 = arith.constant 0 : index
      %get3A_326 = arith.constant 0 : index
      %get3A_327 = vector.load %arg2[%get3A_324, %get3A_325, %get3A_326] : memref<24x512x128xf32, #tpu.memory_space<vmem>>, vector<1x512x128xf32>
      %get3A_328 = vector.shape_cast %get3A_327 : vector<1x512x128xf32> to vector<512x128xf32>
      %mul3A_329 = vector.broadcast %slice3A_323 : vector<512x1xf32> to vector<512x128xf32>
      %mul3A_330 = arith.mulf %mul3A_329, %get3A_328 : vector<512x128xf32>
      %add3A_331 = arith.addf %add3A_322, %mul3A_330 : vector<512x128xf32>
      %slice3A_332 = vector.extract_strided_slice %dot_general3A_144 {offsets = [0, 21], sizes = [512, 1], strides = [1, 1]} : vector<512x24xf32> to vector<512x1xf32>
      %get3A_333 = arith.constant 21 : index
      %get3A_334 = arith.constant 0 : index
      %get3A_335 = arith.constant 0 : index
      %get3A_336 = vector.load %arg2[%get3A_333, %get3A_334, %get3A_335] : memref<24x512x128xf32, #tpu.memory_space<vmem>>, vector<1x512x128xf32>
      %get3A_337 = vector.shape_cast %get3A_336 : vector<1x512x128xf32> to vector<512x128xf32>
      %mul3A_338 = vector.broadcast %slice3A_332 : vector<512x1xf32> to vector<512x128xf32>
      %mul3A_339 = arith.mulf %mul3A_338, %get3A_337 : vector<512x128xf32>
      %add3A_340 = arith.addf %add3A_331, %mul3A_339 : vector<512x128xf32>
      %slice3A_341 = vector.extract_strided_slice %dot_general3A_144 {offsets = [0, 22], sizes = [512, 1], strides = [1, 1]} : vector<512x24xf32> to vector<512x1xf32>
      %get3A_342 = arith.constant 22 : index
      %get3A_343 = arith.constant 0 : index
      %get3A_344 = arith.constant 0 : index
      %get3A_345 = vector.load %arg2[%get3A_342, %get3A_343, %get3A_344] : memref<24x512x128xf32, #tpu.memory_space<vmem>>, vector<1x512x128xf32>
      %get3A_346 = vector.shape_cast %get3A_345 : vector<1x512x128xf32> to vector<512x128xf32>
      %mul3A_347 = vector.broadcast %slice3A_341 : vector<512x1xf32> to vector<512x128xf32>
      %mul3A_348 = arith.mulf %mul3A_347, %get3A_346 : vector<512x128xf32>
      %add3A_349 = arith.addf %add3A_340, %mul3A_348 : vector<512x128xf32>
      %slice3A_350 = vector.extract_strided_slice %dot_general3A_144 {offsets = [0, 23], sizes = [512, 1], strides = [1, 1]} : vector<512x24xf32> to vector<512x1xf32>
      %get3A_351 = arith.constant 23 : index
      %get3A_352 = arith.constant 0 : index
      %get3A_353 = arith.constant 0 : index
      %get3A_354 = vector.load %arg2[%get3A_351, %get3A_352, %get3A_353] : memref<24x512x128xf32, #tpu.memory_space<vmem>>, vector<1x512x128xf32>
      %get3A_355 = vector.shape_cast %get3A_354 : vector<1x512x128xf32> to vector<512x128xf32>
      %mul3A_356 = vector.broadcast %slice3A_350 : vector<512x1xf32> to vector<512x128xf32>
      %mul3A_357 = arith.mulf %mul3A_356, %get3A_355 : vector<512x128xf32>
      %add3A_358 = arith.addf %add3A_349, %mul3A_357 : vector<512x128xf32>
      %dot_general3A_359 = arith.constant dense<0.000000e+00> : vector<512x128xf32>
      %dot_general3A_360 = tpu.matmul %add3A_358, %get3A_10, %dot_general3A_359 {dimension_numbers = #tpu.dot_dimension_numbers<[1], [0], [0], [1], [0, 0, 1, 1], [], []>, transpose_lhs_hint = false} : vector<512x128xf32>, vector<128x128xf32>, vector<512x128xf32> -> vector<512x128xf32>
      %add3A_361 = vector.broadcast %get3A_13 : vector<1x128xf32> to vector<512x128xf32>
      %add3A_362 = arith.addf %dot_general3A_360, %add3A_361 : vector<512x128xf32>
      %swap3A_363 = arith.constant 0 : index
      %swap3A_364 = arith.constant 0 : index
      %swap3A_365 = vector.load %arg13[%swap3A_363, %swap3A_364] : memref<512x128xf32, #tpu.memory_space<vmem>>, vector<512x128xf32>
      tpu.vector_store %arg13[%swap3A_363, %swap3A_364], %add3A_362 {strides = array<i32>} : memref<512x128xf32, #tpu.memory_space<vmem>>, vector<512x128xf32>,
    } else {
    }
    return
  }
  func.func @transform_0(%arg0: i32) -> (i32, i32) {
    %sub3A = arith.constant 1 : i32
    %sub3A_0 = arith.subi %arg0, %sub3A : i32
    %max3A = arith.constant 0 : i32
    %max3A_1 = arith.maxsi %sub3A_0, %max3A : i32
    %c0_i32 = arith.constant 0 : i32
    %c0_i32_2 = arith.constant 0 : i32
    return %max3A_1, %c0_i32 : i32, i32
  }
  func.func @transform_1(%arg0: i32) -> (i32, i32, i32) {
    %sub3A = arith.constant 1 : i32
    %sub3A_0 = arith.subi %arg0, %sub3A : i32
    %max3A = arith.constant 0 : i32
    %max3A_1 = arith.maxsi %sub3A_0, %max3A : i32
    %c0_i32 = arith.constant 0 : i32
    %c0_i32_2 = arith.constant 0 : i32
    %c0_i32_3 = arith.constant 0 : i32
    return %c0_i32, %max3A_1, %c0_i32_2 : i32, i32, i32
  }
  func.func @transform_2(%arg0: i32) -> (i32, i32) {
    %sub3A = arith.constant 1 : i32
    %sub3A_0 = arith.subi %arg0, %sub3A : i32
    %max3A = arith.constant 0 : i32
    %max3A_1 = arith.maxsi %sub3A_0, %max3A : i32
    %c0_i32 = arith.constant 0 : i32
    %c0_i32_2 = arith.constant 0 : i32
    return %max3A_1, %c0_i32 : i32, i32
  }
  func.func @transform_3(%arg0: i32) -> (i32, i32) {
    %c0_i32 = arith.constant 0 : i32
    %c0_i32_0 = arith.constant 0 : i32
    %c0_i32_1 = arith.constant 0 : i32
    return %c0_i32, %c0_i32_0 : i32, i32
  }
  func.func @transform_4(%arg0: i32) -> (i32, i32) {
    %c0_i32 = arith.constant 0 : i32
    %c0_i32_0 = arith.constant 0 : i32
    %c0_i32_1 = arith.constant 0 : i32
    return %c0_i32, %c0_i32_0 : i32, i32
  }
  func.func @transform_5(%arg0: i32) -> (i32, i32) {
    %c0_i32 = arith.constant 0 : i32
    %c0_i32_0 = arith.constant 0 : i32
    %c0_i32_1 = arith.constant 0 : i32
    return %c0_i32, %c0_i32_0 : i32, i32
  }
  func.func @transform_6(%arg0: i32) -> (i32, i32) {
    %c0_i32 = arith.constant 0 : i32
    %c0_i32_0 = arith.constant 0 : i32
    %c0_i32_1 = arith.constant 0 : i32
    return %c0_i32, %c0_i32_0 : i32, i32
  }
  func.func @transform_7(%arg0: i32) -> (i32, i32) {
    %c0_i32 = arith.constant 0 : i32
    %c0_i32_0 = arith.constant 0 : i32
    %c0_i32_1 = arith.constant 0 : i32
    return %c0_i32, %c0_i32_0 : i32, i32
  }
  func.func @transform_8(%arg0: i32) -> (i32, i32) {
    %c0_i32 = arith.constant 0 : i32
    %c0_i32_0 = arith.constant 0 : i32
    %c0_i32_1 = arith.constant 0 : i32
    return %c0_i32, %c0_i32_0 : i32, i32
  }
  func.func @transform_9(%arg0: i32) -> (i32, i32) {
    %c0_i32 = arith.constant 0 : i32
    %c0_i32_0 = arith.constant 0 : i32
    %c0_i32_1 = arith.constant 0 : i32
    return %c0_i32, %c0_i32_0 : i32, i32
  }
  func.func @transform_10(%arg0: i32) -> (i32, i32) {
    %c0_i32 = arith.constant 0 : i32
    %c0_i32_0 = arith.constant 0 : i32
    %c0_i32_1 = arith.constant 0 : i32
    return %c0_i32, %c0_i32_0 : i32, i32
  }
  func.func @transform_11(%arg0: i32) -> (i32, i32) {
    %sub3A = arith.constant 1 : i32
    %sub3A_0 = arith.subi %arg0, %sub3A : i32
    %max3A = arith.constant 0 : i32
    %max3A_1 = arith.maxsi %sub3A_0, %max3A : i32
    %c0_i32 = arith.constant 0 : i32
    %c0_i32_2 = arith.constant 0 : i32
    return %max3A_1, %c0_i32 : i32, i32
  }
  func.func @transform_12(%arg0: i32) -> (i32, i32) {
    %c0_i32 = arith.constant 0 : i32
    %c0_i32_0 = arith.constant 0 : i32
    return %arg0, %c0_i32 : i32, i32
  }
}

</mosaic_0001>

<sc_bundles>
// kernel: kernel.6.cloned.1.call-start
scs
__scs_entry_jumppad:
0x0: {  	(pc) =	sbr.rel $0x88, $3  }
0x1: {  	(tag) =	ssettag $0x0;
	lr =	simm.s32 $0x1  }
0x2: {  	[smem:$0x3F95] =	sst lr;
	_ =	strace $0xD0000000  }
0x3: {  	_ = 	snop  }
0x4: {  	_ = 	snop  }
0x5: {  	_ = 	snop  }
0x6: {  	_ = 	snop  }
0x7: {  	_ = 	snop  }
__scs_overlays_trampoline_lowered:
0x8: {  	[smem:$0x3FA4] =	sst s0  }
0x9: {  	[smem:$0x3FA5] =	sst s1  }
0xa: {  	[smem:$0x3FA6] =	sst s2  }
0xb: {  	[smem:$0x3FA7] =	sst s3  }
0xc: {  	[smem:$0x3FA8] =	sst s4  }
0xd: {  	[smem:$0x3FA9] =	sst s5  }
0xe: {  	[smem:$0x3FAA] =	sst s6  }
0xf: {  	[smem:$0x3FAB] =	sst s7  }
0x10: {  	[smem:$0x3FAC] =	sst s8  }
0x11: {  	[smem:$0x3FAD] =	sst s9;
	s0 =	simm.s32 @!p0 $0x0  }
0x12: {  	s1 =	sld [smem:$0x3F93];
	s0 =	simm.s32 @p0 $0x1  }
0x13: {  	[smem:$0x3FAE] =	sst s0;
	s0 =	simm.s32 @!p1 $0x0  }
0x14: {  	s2 =	sld [smem:$0x3F92];
	s0 =	simm.s32 @p1 $0x1  }
0x15: {  	[smem:$0x3FAF] =	sst s0;
	s0 =	simm.s32 @!p2 $0x0  }
0x16: {  	s3 =	sld [smem:$0x3FDB];
	s0 =	simm.s32 @p2 $0x1  }
0x17: {  	s4 =	simm.s32 $0x1BF5;
	[smem:$0x3FB1] =	sst s0  }
0x18: {  	s0 =	sld [smem:$0x3F94];
	_ =	swait.ge [sflag:s4], $0x0  }
0x19: {  	s7 =	sld [smem:$0x3F95]  }
0x1a: {  	s8 =	sadd.s32 $0xFFFFE003, lr  }
0x1b: {  	s9 =	sadd.s32 $0xFFFFFEF7, lr;
	s5 =	simm.s32 $0xFFFFFFFF;
	p2 =	slt.u32 s8, $0xFFFFF086  }
0x1c: {  	p1 =	slt.u32 s9, $0xF7A;
	s5 =	simm.s32 @!p2 $0x0  }
0x1d: {  	s5 =	simm.s32 @p1 $0x1;
	p0 =	seq.s32 s7, s2  }
0x1e: {  	s7 =	smul.u32 @!p0 $0xF7A, s2;
	p2 =	seq.s32 @!p0 s5, $0x0  }
0x1f: {  	s9 =	smul.u32 $0xF7A, s1;
	s8 =	simm.s32 @!p0 $0x1BF5;
	p2 =	por !p2, p0  }
0x20: {  	[sflag:s8] =	ssyncset.s32 @!p0 $0xFFFFF086;
	s6 =	sadd.s32 @!p0 s3, s7;
	s7 =	simm.s32 @!p0 $0x108  }
0x21: {  	s3 =	sadd.s32 s3, s9;
	s6 =	sadd.s32 @!p0 $0x88, s6;
	s7 =	simm.s32 @p2 $0x1082  }
0x22: {  	[simem:s7], [sflag:s8] =	dma.local @!p0 [hbm:s6], $0xF7A  }
0x23: {  	s9 =	sor.u32 $0xD0000000, s2;
	s6 =	simm.s32 $0x108;
	_ =	swait.ge @!p0 [sflag:s8], $0x0  }
0x24: {  	s3 =	sadd.s32 $0x88, s3;
	s6 =	simm.s32 @!p1 $0x1082;
	[sflag:s4] =	ssyncset.s32 $0xFFFFF086  }
0x25: {  	[simem:s6], [sflag:s4] =	dma.local [hbm:s3], $0xF7A  }
0x26: {  	[smem:$0x3F95] =	sst s1;
	(tag) =	ssettag s2;
	_ =	strace s9  }
0x27: {  	s1 =	sld [smem:$0x3FA5]  }
0x28: {  	s2 =	sld [smem:$0x3FA6]  }
0x29: {  	s4 =	sld [smem:$0x3FA8]  }
0x2a: {  	p0 =	seq.s32 s5, $0x0;
	s5 =	sld [smem:$0x3FA9]  }
0x2b: {  	s6 =	sld [smem:$0x3FAA]  }
0x2c: {  	s7 =	sld [smem:$0x3FAB]  }
0x2d: {  	s3 =	simm.s32 $0x108;
	s8 =	sld [smem:$0x3FAC]  }
0x2e: {  	s3 =	simm.s32 @!p0 $0x1082;
	s9 =	sld [smem:$0x3FAD]  }
0x2f: {  	lr =	sadd.s32 s0, s3;
	s0 =	sld [smem:$0x3FA4]  }
0x30: {  	s3 =	sld [smem:$0x3FA7]  }
0x31: {  	[smem:$0x3FB0] =	sst s10  }
0x32: {  	s10 =	sld [smem:$0x3FAE];
	_ =	sdelay $0x3  }
0x33: {  	p0 =	seq.s32 s10, $0x1;
	s10 =	sld [smem:$0x3FB0];
	_ =	sdelay $0x3  }
0x34: {  	[smem:$0x3FB0] =	sst s10  }
0x35: {  	s10 =	sld [smem:$0x3FAF];
	_ =	sdelay $0x3  }
0x36: {  	p1 =	seq.s32 s10, $0x1;
	s10 =	sld [smem:$0x3FB0];
	_ =	sdelay $0x3  }
0x37: {  	[smem:$0x3FB0] =	sst s10  }
0x38: {  	s10 =	sld [smem:$0x3FB1]  }
0x39: {  	_ = 	snop;
	(pc) =	sbr.ind lr, $3  }
0x3a: {  	_ = 	snop  }
0x3b: {  	_ = 	snop  }
0x3c: {  	p2 =	seq.s32 s10, $0x1;
	s10 =	sld [smem:$0x3FB0]  }
0x3d: {  	_ =	shalt  }
0x3e: {  	_ =	shalt  }
0x3f: {  	_ =	shalt  }
0x40: {  	_ =	shalt  }
0x41: {  	_ =	shalt  }
0x42: {  	_ =	shalt  }
0x43: {  	_ =	shalt  }
0x44: {  	_ =	shalt  }
0x45: {  	_ =	shalt  }
0x46: {  	_ =	shalt  }
0x47: {  	_ =	shalt  }
0x48: {  	_ =	shalt  }
0x49: {  	_ =	shalt  }
0x4a: {  	_ =	shalt  }
0x4b: {  	_ =	shalt  }
0x4c: {  	_ =	shalt  }
0x4d: {  	_ =	shalt  }
0x4e: {  	_ =	shalt  }
0x4f: {  	_ =	shalt  }
0x50: {  	_ =	shalt  }
0x51: {  	_ =	shalt  }
0x52: {  	_ =	shalt  }
0x53: {  	_ =	shalt  }
0x54: {  	_ =	shalt  }
0x55: {  	_ =	shalt  }
0x56: {  	_ =	shalt  }
0x57: {  	_ =	shalt  }
0x58: {  	_ =	shalt  }
0x59: {  	_ =	shalt  }
0x5a: {  	_ =	shalt  }
0x5b: {  	_ =	shalt  }
0x5c: {  	_ =	shalt  }
0x5d: {  	_ =	shalt  }
0x5e: {  	_ =	shalt  }
0x5f: {  	_ =	shalt  }
0x60: {  	_ =	shalt  }
0x61: {  	_ =	shalt  }
0x62: {  	_ =	shalt  }
0x63: {  	_ =	shalt  }
0x64: {  	_ =	shalt  }
0x65: {  	_ =	shalt  }
0x66: {  	_ =	shalt  }
0x67: {  	_ =	shalt  }
0x68: {  	_ =	shalt  }
0x69: {  	_ =	shalt  }
0x6a: {  	_ =	shalt  }
0x6b: {  	_ =	shalt  }
0x6c: {  	_ =	shalt  }
0x6d: {  	_ =	shalt  }
0x6e: {  	_ =	shalt  }
0x6f: {  	_ =	shalt  }
0x70: {  	_ =	shalt  }
0x71: {  	_ =	shalt  }
0x72: {  	_ =	shalt  }
0x73: {  	_ =	shalt  }
0x74: {  	_ =	shalt  }
0x75: {  	_ =	shalt  }
0x76: {  	_ =	shalt  }
0x77: {  	_ =	shalt  }
0x78: {  	_ =	shalt  }
0x79: {  	_ =	shalt  }
0x7a: {  	_ =	shalt  }
0x7b: {  	_ =	shalt  }
0x7c: {  	_ =	shalt  }
0x7d: {  	_ =	shalt  }
0x7e: {  	_ =	shalt  }
0x7f: {  	_ =	shalt  }
0x80: {  	_ =	shalt  }
0x81: {  	_ =	shalt  }
0x82: {  	_ =	shalt  }
0x83: {  	_ =	shalt  }
0x84: {  	_ =	shalt  }
0x85: {  	_ =	shalt  }
0x86: {  	_ =	shalt  }
0x87: {  	_ =	shalt  }
.Lfunc_end0:
.L_simem_size_0:
called_computation_lowered:
.L_overlay_start_0:
0x88: {  	s2 =	sld [smem:$0x3FD9]  }
0x89: {  	s3 =	sld [smem:$0x3FFE];
	_ =	sdelay $0x1  }
0x8a: {  	s1 =	srdreg.scid  }
0x8b: {  	s0 =	sand.u32 $0x1, s1  }
0x8c: {  	s15 =	sshll.u32 s0, $0xA;
	s2 =	sadd.s32 s3, s2  }
0x8d: {  	s2 =	sadd.s32 s2, s15  }
0x8e: {  	[smem:$0x3FBC] =	sst s2  }
0x8f: {  	_ = 	snop  }
0x90: {  	s16 =	sld [smem:$0x3FD0];
	_ =	sdelay $0x1  }
0x91: {  	s2 =	sld [smem:$0x3FC6]  }
0x92: {  	s5 =	simm.s32 $0xB;
	s6 =	simm.s32 $0x10;
	s4 =	sld [smem:$0x3FC5]  }
0x93: {  	[smem:s6], [sflag:s5] =	dma.local [hbm:s16], $0x1  }
0x94: {  	_ =	swait.eq [sflag:s5], $0x1  }
0x95: {  	[sflag:s5] =	ssyncset.done $0x0  }
0x96: {  	[sflag:s5] =	ssyncadd.s32 $0xFFFFFFFF  }
0x97: {  	s17 =	sld [smem:$0x10];
	(tm) =	ssettm $0x1  }
0x98: {  	s18 =	sld [smem:$0x3FFB];
	_ =	sdelay $0x3  }
0x99: {  	_ =	strace s18  }
0x9a: {  	s3 =	sld [smem:$0x3FFC];
	_ =	sdelay $0x3  }
0x9b: {  	_ =	strace s3  }
0x9c: {  	s3 =	sld [smem:$0x3FFD];
	_ =	sdelay $0x3  }
0x9d: {  	_ =	strace s3  }
0x9e: {  	_ =	strace $0x8FFFFFFF  }
0x9f: {  	s19 =	sld [smem:$0x3FDB];
	_ =	sdelay $0x1  }
0xa0: {  	s20 =	simm.s32 $_scs_section_size  }
0xa1: {  	s7 =	simm.s32 $_size__tile_overlayer_lowered;
	s8 =	simm.s32 $_tile_overlayer_lowered  }
0xa2: {  	s9 =	simm.s32 $0x1BFF;
	s21 =	sshll.u32 s8, $0x1;
	s6 =	sadd.s32 s20, s19  }
0xa3: {  	s22 =	simm.s32 $0x0;
	s7 =	sshll.u32 s7, $0x1;
	s8 =	sadd.s32 s21, s6  }
0xa4: {  	[timem:s22], [sflag:s9] =	dma.local [hbm:s8], s7  }
0xa5: {  	_ =	swait.ge [sflag:s9], s7  }
0xa6: {  	s7 =	ssub.s32 $0x0, s7;
	[sflag:s9] =	ssyncset.done $0x0  }
0xa7: {  	[sflag:s9] =	ssyncadd.s32 s7;
	_ =	sdelay $0x1  }
0xa8: {  	s23 =	simm.s32 $0x1B8B  }
0xa9: {  	_ =	swait.ge [sflag:s23], $0x1  }
0xaa: {  	[sflag:s23] =	ssyncset.done $0x0  }
0xab: {  	[sflag:s23] =	ssyncadd.s32 $0xFFFFFFFF  }
0xac: {  	s7 =	sld [smem:$0x0]  }
0xad: {  	s8 =	sand.u32 $0xFFFFFFFE, s1  }
0xae: {  	p0 =	sne.s32 s1, s8  }
0xaf: {  	s8 =	sshll.u32 @p0 s8, $0xE  }
0xb0: {  	s8 =	sadd.s32 @p0 $0x11B8D, s8;
	s9 =	sshll.u32 @p0 s7, $0x11  }
0xb1: {  	s8 =	sor.u32 @p0 s9, s8  }
0xb2: {  	[sflag:s8] =	ssyncadd.remote.s32 @p0 $0x1;
	_ =	sdelay $0x1  }
0xb3: {  	s8 =	simm.s32 @p0 $0x1B8D  }
0xb4: {  	_ =	swait.eq @p0 [sflag:s8], $0x1  }
0xb5: {  	[sflag:s8] =	ssyncadd.s32 @p0 $0xFFFFFFFF  }
0xb6: {  	s9 =	sshll.u32 @!p0 s1, $0xE  }
0xb7: {  	s9 =	sor.u32 @!p0 $0x4000, s9;
	s8 =	simm.s32 @!p0 $0x1B8D  }
0xb8: {  	s7 =	sshll.u32 @!p0 s7, $0x11;
	s9 =	sadd.s32 @!p0 $0x11B8D, s9;
	_ =	swait.eq @!p0 [sflag:s8], $0x1  }
0xb9: {  	s7 =	sor.u32 @!p0 s7, s9;
	[sflag:s8] =	ssyncadd.s32 @!p0 $0xFFFFFFFF  }
0xba: {  	s25 =	simm.s32 $0x1B8E;
	s24 =	sld [smem:$0x3FFE];
	[sflag:s7] =	ssyncadd.remote.s32 @!p0 $0x1  }
0xbb: {  	s26 =	simm.s32 $execute0_lowered;
	[smem:$0x3FD2] =	sst s25  }
0xbc: {  	s8 =	sshll.u32 s26, $0x1;
	_ =	strace $0x80000049;
	[dreg:$0x1] =	wrdreg $0xFFFFFFFF  }
0xbd: {  	s28 =	simm.s32 $_size_execute0_lowered;
	s6 =	sadd.s32 s6, s8;
	[dreg:$0x0] =	wrdreg $0x0  }
0xbe: {  	s8 =	sshll.u32 s28, $0x1;
	[dreg:$0x2] =	wrdreg s6  }
0xbf: {  	[dreg:$0x3] =	wrdreg s8  }
0xc0: {  	[dreg:$0x4] =	wrdreg $0xC0  }
0xc1: {  	_ =	task [dreg:s22], $0x5FFFF  }
0xc2: {  	[dreg:$0x1] =	wrdreg $0xFFFFFFFF  }
0xc3: {  	[dreg:$0x0] =	wrdreg $0x60  }
0xc4: {  	[dreg:$0x2] =	wrdreg s4  }
0xc5: {  	[dreg:$0x3] =	wrdreg s2  }
0xc6: {  	[dreg:$0x4] =	wrdreg s24  }
0xc7: {  	[dreg:$0x5] =	wrdreg s17  }
0xc8: {  	[dreg:$0x6] =	wrdreg $0x9  }
0xc9: {  	_ =	task.clear_ibuf [dreg:s22], $0x7FFFF;
	_ =	strace $0x90000049  }
0xca: {  	s29 =	simm.s32 $0x9;
	_ =	strace $0x8000004B  }
0xcb: {  	_ =	swait.ge [sflag:s29], $0x1  }
0xcc: {  	[sflag:s29] =	ssyncadd.s32 $0xFFFFFFFF  }
0xcd: {  	_ =	strace $0x9000004B  }
0xce: {  	_ =	sfence  }
0xcf: {  	s30 =	sld [smem:$0x0];
	_ =	sdelay $0x2  }
0xd0: {  	s31 =	sshll.u32 s1, $0xD;
	s1 =	sshrl.u32 s1, $0x2  }
0xd1: {  	s4 =	sand.u32 $0x4000, s31;
	s1 =	sadd.s32 s1, s30  }
0xd2: {  	s0 =	sor.u32 s4, s0;
	s1 =	sshll.u32 s1, $0x11  }
0xd3: {  	s0 =	sor.u32 s1, s0  }
0xd4: {  	s0 =	sadd.s32 $0x8F2B, s0  }
0xd5: {  	[sflag:s0] =	ssyncadd.remote.s32 $0x1  }
0xd6: {  	_ =	sfence.sel $0xFFFF  }
0xd7: {  	[dreg:$0x0] =	wrdreg $0xFFFFFFFF;
	(pc) =	sbr.abs _section_cstart, $3  }
0xd8: {  	[dreg:$0x1] =	wrdreg $0xFFFFFFFF  }
0xd9: {  	_ =	task.clear_ibuf [dreg:s22], $0x2FFFF;
	_ =	strace $0x9FFFFFFF  }
0xda: {  	(tm) =	ssettm $0x7FFFFFFF  }
0xdb: {  	_ =	shalt  }
tec
execute0_lowered:
.L_overlay_start_1:
0x0: {  	(tag) =	ssettag $0x1  }
0x1: {  	s1 =	rddreg [dreg:$0x0]  }
0x2: {  	s2 =	rddreg [dreg:$0x1]  }
0x3: {  	s3 =	srdreg.scid;
	s5 =	rddreg [dreg:$0x2]  }
0x4: {  	s0 =	stileid.u32;
	s7 =	rddreg [dreg:$0x3];
	s4 =	simm.s32 $0x0  }
0x5: {  	s18 =	simm.s32 $0x1;
	s19 =	simm.s32 $0x2;
	s20 =	simm.s32 $0x3  }
0x6: {  	s21 =	simm.s32 $0x4;
	s22 =	simm.s32 $0x1800;
	s15 =	smul.u32 $0x30000, s0  }
0x7: {  	s23 =	simm.s32 $0x1880;
	s9 =	sand.u32 $0x1, s3;
	s28 =	smul.u32 $0x180000, s0  }
0x8: {  	s24 =	sshll.u32 s0, $0x1;
	[smem:$0x7FF] =	sst s4;
	s16 =	smul.u32 $0x18000, s9  }
0x9: {  	s13 =	sadd.s32 $0x310200, s5;
	s8 =	sor.u32 s9, s24;
	s17 =	smul.u32 $0xC0000, s9  }
0xa: {  	s3 =	rddreg [dreg:$0x4];
	_ =	strace $0x8000004A;
	s6 =	smul.u32 $0x300, s8  }
0xb: {  	s11 =	ssub.s32 $0x2, s9;
	s24 =	simm.s32 $0x0;
	s12 =	smul.u32 $0xC0000, s8  }
0xc: {  	s10 =	sshll.u32 s8, $0x5;
	s25 =	sshrl.u32 s11, $0x1;
	s14 =	smul.u32 $0x18000, s8  }
0xd: {  	s8 =	sshll.u32 s8, $0xC;
	s29 =	sadd.s32 s15, s13;
	s10 =	sadd.s32 s10, s5  }
0xe: {  	s11 =	ssub.s32 s11, s25;
	s7 =	sadd.s32 s7, s8;
	s15 =	sadd.s32 s16, s29  }
0xf: {  	s30 =	sadd.s32 s17, s28;
	s16 =	simm.s32 $0x1900;
	s17 =	simm.s32 $0x5900  }
0x10: {  	s6 =	sadd.s32 s6, s5;
	s26 =	sshrl.u32 s12, $0x3;
	s8 =	sadd.s32 $0x800, s7  }
0x11: {  	s9 =	smax.u32 s11, $0x1;
	s14 =	sadd.s32 s14, s13;
	s12 =	sadd.s32 $0x800, s15  }
0x12: {  	s31 =	sshrl.u32 s30, $0x3;
	s15 =	simm.s32 $0x80;
	s5 =	sadd.s32 $0x30A200, s6  }
0x13: {  	s6 =	sadd.s32 $0x3E00, s10;
	s10 =	sadd.s32 s13, s26;
	s11 =	sadd.s32 $0x17800, s14  }
0x14: {  	s13 =	sadd.s32 s31, s13;
	s14 =	simm.s32 $0x5;
	s10 =	sadd.s32 $0x17000, s10  }
.LBB2_1:
0x15: {  	[tilespmem:s4], [sflag:$0x5] =	stream.linear.gather [hbm4b:s5+s4], $0x1800, $0x38;
	[tilespmem:$0x9900] =	vst v63  }
0x16: {  	_ =	swait.ge [sflag:s14], $0x1800  }
0x17: {  	[sflag:s14] =	ssyncset.done $0x0  }
0x18: {  	[sflag:s14] =	ssyncadd.s32 $0xFFFFE800  }
0x19: {  	[tilespmem:s16], [sflag:$0x1] =	stream.indirect.gather [hbm4b:s1+s15], $0x80, s4, s15, $0xb8;
	[tilespmem:$0x9900] =	vst v63  }
0x1a: {  	_ = 	snop  }
0x1b: {  	[tilespmem:s17], [sflag:$0x2] =	stream.indirect.gather [hbm4b:s1+s15], $0x80, s15, s15, $0xb8;
	[tilespmem:$0x9900] =	vst v63  }
0x1c: {  	_ =	swait.ge [sflag:s18], $0x4000  }
0x1d: {  	[sflag:s18] =	ssyncset.done $0x0  }
0x1e: {  	s25 =	sadd.s32 $0x0, s13;
	[sflag:s18] =	ssyncadd.s32 $0xFFFFC000  }
0x1f: {  	[hbm4b:s25+s4] =	stream.linear.scatter [tilespmem:s16], [sflag:$0x3], $0x4000, $0x38;
	[tilespmem:$0x9900] =	vst v63  }
0x20: {  	_ =	swait.ge [sflag:s19], $0x4000  }
0x21: {  	[sflag:s19] =	ssyncset.done $0x0  }
0x22: {  	s30 =	sadd.s32 $0x0, s12;
	[sflag:s19] =	ssyncadd.s32 $0xFFFFC000  }
0x23: {  	[hbm4b:s30+s4] =	stream.linear.scatter [tilespmem:s17], [sflag:$0x4], $0x4000, $0x38;
	[tilespmem:$0x9900] =	vst v63  }
0x24: {  	_ =	swait.ge [sflag:s20], $0x4000  }
0x25: {  	[sflag:s20] =	ssyncset.done $0x0  }
0x26: {  	s31 =	simm.s32 $0x100;
	[sflag:s20] =	ssyncadd.s32 $0xFFFFC000  }
0x27: {  	[tilespmem:s16], [sflag:$0x1] =	stream.indirect.gather [hbm4b:s1+s15], $0x80, s31, s15, $0xb8;
	[tilespmem:$0x9900] =	vst v63  }
0x28: {  	_ =	swait.ge [sflag:s21], $0x4000  }
0x29: {  	s26 =	simm.s32 $0x1000;
	[sflag:s21] =	ssyncset.done $0x0  }
0x2a: {  	s28 =	simm.s32 $0x280;
	s25 =	simm.s32 $0x180;
	[sflag:s21] =	ssyncadd.s32 $0xFFFFC000  }
.LBB2_2:
0x2b: {  	[tilespmem:s17], [sflag:$0x2] =	stream.indirect.gather [hbm4b:s1+s15], $0x80, s25, s15, $0xb8;
	[tilespmem:$0x9900] =	vst v63  }
0x2c: {  	s29 =	smov.u32 s26;
	s25 =	smov.u32 s28  }
0x2d: {  	p0 =	sne.s32 s26, $0x16000;
	s26 =	sadd.s32 $0x1000, s26;
	_ =	swait.ge [sflag:s18], $0x4000  }
0x2e: {  	[sflag:s18] =	ssyncset.done $0x0  }
0x2f: {  	s30 =	sadd.s32 s29, s13;
	[sflag:s18] =	ssyncadd.s32 $0xFFFFC000  }
0x30: {  	[hbm4b:s30+s4] =	stream.linear.scatter [tilespmem:s16], [sflag:$0x3], $0x4000, $0x38;
	[tilespmem:$0x9900] =	vst v63  }
0x31: {  	_ =	swait.ge [sflag:s19], $0x4000  }
0x32: {  	[sflag:s19] =	ssyncset.done $0x0  }
0x33: {  	s29 =	sadd.s32 s29, s12;
	[sflag:s19] =	ssyncadd.s32 $0xFFFFC000  }
0x34: {  	[hbm4b:s29+s4] =	stream.linear.scatter [tilespmem:s17], [sflag:$0x4], $0x4000, $0x38;
	[tilespmem:$0x9900] =	vst v63  }
0x35: {  	_ =	swait.ge [sflag:s20], $0x4000  }
0x36: {  	[sflag:s20] =	ssyncset.done $0x0  }
.Ltmp0:
0x37: {  	s29 =	sadd.s32 $0xFFFFFF80, s28;
	[sflag:s20] =	ssyncadd.s32 $0xFFFFC000;
	(pc) =	sbr.rel @p0 .LBB2_2-.Ltmp0, $4  }
0x38: {  	[tilespmem:s16], [sflag:$0x1] =	stream.indirect.gather [hbm4b:s1+s15], $0x80, s29, s15, $0xb8;
	[tilespmem:$0x9900] =	vst v63  }
0x39: {  	_ =	swait.ge [sflag:s21], $0x4000  }
0x3a: {  	[sflag:s21] =	ssyncset.done $0x0  }
0x3b: {  	s28 =	sadd.s32 $0x100, s28;
	[sflag:s21] =	ssyncadd.s32 $0xFFFFC000  }
0x3c: {  	[tilespmem:s17], [sflag:$0x2] =	stream.indirect.gather [hbm4b:s1+s15], $0x80, s25, s15, $0xb8;
	[tilespmem:$0x9900] =	vst v63  }
0x3d: {  	_ =	swait.ge [sflag:s18], $0x4000  }
0x3e: {  	[sflag:s18] =	ssyncset.done $0x0  }
0x3f: {  	[sflag:s18] =	ssyncadd.s32 $0xFFFFC000  }
0x40: {  	[hbm4b:s10+s4] =	stream.linear.scatter [tilespmem:s16], [sflag:$0x3], $0x4000, $0x38;
	[tilespmem:$0x9900] =	vst v63  }
0x41: {  	_ =	swait.ge [sflag:s19], $0x4000  }
0x42: {  	[sflag:s19] =	ssyncset.done $0x0  }
0x43: {  	[sflag:s19] =	ssyncadd.s32 $0xFFFFC000  }
0x44: {  	[hbm4b:s11+s4] =	stream.linear.scatter [tilespmem:s17], [sflag:$0x4], $0x4000, $0x38;
	[tilespmem:$0x9900] =	vst v63  }
0x45: {  	_ =	swait.ge [sflag:s20], $0x4000  }
0x46: {  	[sflag:s20] =	ssyncset.done $0x0  }
0x47: {  	[sflag:s20] =	ssyncadd.s32 $0xFFFFC000  }
0x48: {  	_ =	swait.ge [sflag:s21], $0x4000  }
0x49: {  	[sflag:s21] =	ssyncset.done $0x0  }
0x4a: {  	[sflag:s21] =	ssyncadd.s32 $0xFFFFC000  }
0x4b: {  	[tilespmem:s22], [sflag:$0x5] =	stream.linear.gather [hbm4b:s6+s4], $0x100, $0x38;
	[tilespmem:$0x9900] =	vst v63  }
0x4c: {  	_ =	swait.ge [sflag:s14], $0x100  }
0x4d: {  	[sflag:s14] =	ssyncset.done $0x0  }
0x4e: {  	[sflag:s14] =	ssyncadd.s32 $0xFFFFFF00  }
0x4f: {  	[tilespmem:s16], [sflag:$0x1] =	stream.indirect.gather [hbm4b:s2+s15], $0x80, s22, s15, $0xb8;
	[tilespmem:$0x9900] =	vst v63  }
0x50: {  	_ = 	snop  }
0x51: {  	[tilespmem:s17], [sflag:$0x2] =	stream.indirect.gather [hbm4b:s2+s15], $0x80, s23, s15, $0xb8;
	[tilespmem:$0x9900] =	vst v63  }
0x52: {  	_ =	swait.ge [sflag:s18], $0x4000  }
0x53: {  	[sflag:s18] =	ssyncset.done $0x0  }
0x54: {  	[sflag:s18] =	ssyncadd.s32 $0xFFFFC000  }
0x55: {  	[hbm4b:s7+s4] =	stream.linear.scatter [tilespmem:s16], [sflag:$0x3], $0x4000, $0x38;
	[tilespmem:$0x9900] =	vst v63  }
0x56: {  	_ =	swait.ge [sflag:s19], $0x4000  }
0x57: {  	[sflag:s19] =	ssyncset.done $0x0  }
0x58: {  	s24 =	sadd.s32 $0x1, s24;
	[sflag:s19] =	ssyncadd.s32 $0xFFFFC000  }
0x59: {  	[hbm4b:s8+s4] =	stream.linear.scatter [tilespmem:s17], [sflag:$0x4], $0x4000, $0x38;
	[tilespmem:$0x9900] =	vst v63  }
0x5a: {  	p0 =	sne.s32 s24, s9;
	_ =	swait.ge [sflag:s20], $0x4000  }
.Ltmp1:
0x5b: {  	[sflag:s20] =	ssyncset.done $0x0;
	(pc) =	sbr.rel @p0 .LBB2_1-.Ltmp1, $4  }
0x5c: {  	[sflag:s20] =	ssyncadd.s32 $0xFFFFC000  }
0x5d: {  	_ =	swait.ge [sflag:s21], $0x4000  }
0x5e: {  	[sflag:s21] =	ssyncset.done $0x0  }
0x5f: {  	[sflag:s21] =	ssyncadd.s32 $0xFFFFC000  }
0x60: {  	_ =	sfence.sel $0x180000  }
0x61: {  	[bflag:$0x0] =	sbarrier.arrive $0xFFFF  }
0x62: {  	p0 =	sne.s32 s0, $0x0;
	_ =	strace $0x9000004A  }
0x63: {  	s0 =	sadd.s32 @!p0 $0x100000, s3;
	[bflag:$0x2] =	sbarrier.arrive $0xFFFF  }
0x64: {  	[sflag:s0] =	ssyncadd.tile.s32 @!p0 $0x1;
	_ =	shalt  }
.Lfunc_end2:
_tile_overlayer_lowered:
.L_overlay_start_2:
0x65: {  	(tag) =	ssettag $0x2  }
0x66: {  	s0 =	rddreg [dreg:$0x0];
	s2 =	stileid.u32  }
0x67: {  	s1 =	rddreg [dreg:$0x1];
	p0 =	sne.s32 s2, $0x0  }
0x68: {  	s3 =	rddreg [dreg:$0x2];
	[bflag:$0x3] =	sbarrier.arrive $0xFFFF;
	s2 =	simm.s32 @!p0 $0x1C05  }
0x69: {  	[timem:s3], [sflag:s2] =	dma.local @!p0 [hbm:s0], s1  }
0x6a: {  	s0 =	simm.s32 @!p0 $0x5  }
0x6b: {  	_ =	swait.ge @!p0 [sflag:s0], s1  }
0x6c: {  	s1 =	ssub.s32 @!p0 $0x0, s1;
	[sflag:s0] =	ssyncset.done @!p0 $0x0  }
0x6d: {  	[sflag:s0] =	ssyncadd.s32 @!p0 s1  }
0x6e: {  	[bflag:$0x3] =	sbarrier.arrive $0xFFFF  }
0x6f: {  	_ =	shalt  }

// kernel: kernel.9.cloned.1.call-start
scs
__scs_entry_jumppad:
0x0: {  	(pc) =	sbr.rel $0x88, $3  }
0x1: {  	(tag) =	ssettag $0x0;
	lr =	simm.s32 $0x1  }
0x2: {  	[smem:$0x3F95] =	sst lr;
	_ =	strace $0xD0000000  }
0x3: {  	_ = 	snop  }
0x4: {  	_ = 	snop  }
0x5: {  	_ = 	snop  }
0x6: {  	_ = 	snop  }
0x7: {  	_ = 	snop  }
__scs_overlays_trampoline_lowered:
0x8: {  	[smem:$0x3FA4] =	sst s0  }
0x9: {  	[smem:$0x3FA5] =	sst s1  }
0xa: {  	[smem:$0x3FA6] =	sst s2  }
0xb: {  	[smem:$0x3FA7] =	sst s3  }
0xc: {  	[smem:$0x3FA8] =	sst s4  }
0xd: {  	[smem:$0x3FA9] =	sst s5  }
0xe: {  	[smem:$0x3FAA] =	sst s6  }
0xf: {  	[smem:$0x3FAB] =	sst s7  }
0x10: {  	[smem:$0x3FAC] =	sst s8  }
0x11: {  	[smem:$0x3FAD] =	sst s9;
	s0 =	simm.s32 @!p0 $0x0  }
0x12: {  	s1 =	sld [smem:$0x3F93];
	s0 =	simm.s32 @p0 $0x1  }
0x13: {  	[smem:$0x3FAE] =	sst s0;
	s0 =	simm.s32 @!p1 $0x0  }
0x14: {  	s2 =	sld [smem:$0x3F92];
	s0 =	simm.s32 @p1 $0x1  }
0x15: {  	[smem:$0x3FAF] =	sst s0;
	s0 =	simm.s32 @!p2 $0x0  }
0x16: {  	s3 =	sld [smem:$0x3FDB];
	s0 =	simm.s32 @p2 $0x1  }
0x17: {  	s4 =	simm.s32 $0x1BF5;
	[smem:$0x3FB1] =	sst s0  }
0x18: {  	s0 =	sld [smem:$0x3F94];
	_ =	swait.ge [sflag:s4], $0x0  }
0x19: {  	s7 =	sld [smem:$0x3F95]  }
0x1a: {  	s8 =	sadd.s32 $0xFFFFE003, lr  }
0x1b: {  	s9 =	sadd.s32 $0xFFFFFEF7, lr;
	s5 =	simm.s32 $0xFFFFFFFF;
	p2 =	slt.u32 s8, $0xFFFFF086  }
0x1c: {  	p1 =	slt.u32 s9, $0xF7A;
	s5 =	simm.s32 @!p2 $0x0  }
0x1d: {  	s5 =	simm.s32 @p1 $0x1;
	p0 =	seq.s32 s7, s2  }
0x1e: {  	s7 =	smul.u32 @!p0 $0xF7A, s2;
	p2 =	seq.s32 @!p0 s5, $0x0  }
0x1f: {  	s9 =	smul.u32 $0xF7A, s1;
	s8 =	simm.s32 @!p0 $0x1BF5;
	p2 =	por !p2, p0  }
0x20: {  	[sflag:s8] =	ssyncset.s32 @!p0 $0xFFFFF086;
	s6 =	sadd.s32 @!p0 s3, s7;
	s7 =	simm.s32 @!p0 $0x108  }
0x21: {  	s3 =	sadd.s32 s3, s9;
	s6 =	sadd.s32 @!p0 $0x88, s6;
	s7 =	simm.s32 @p2 $0x1082  }
0x22: {  	[simem:s7], [sflag:s8] =	dma.local @!p0 [hbm:s6], $0xF7A  }
0x23: {  	s9 =	sor.u32 $0xD0000000, s2;
	s6 =	simm.s32 $0x108;
	_ =	swait.ge @!p0 [sflag:s8], $0x0  }
0x24: {  	s3 =	sadd.s32 $0x88, s3;
	s6 =	simm.s32 @!p1 $0x1082;
	[sflag:s4] =	ssyncset.s32 $0xFFFFF086  }
0x25: {  	[simem:s6], [sflag:s4] =	dma.local [hbm:s3], $0xF7A  }
0x26: {  	[smem:$0x3F95] =	sst s1;
	(tag) =	ssettag s2;
	_ =	strace s9  }
0x27: {  	s1 =	sld [smem:$0x3FA5]  }
0x28: {  	s2 =	sld [smem:$0x3FA6]  }
0x29: {  	s4 =	sld [smem:$0x3FA8]  }
0x2a: {  	p0 =	seq.s32 s5, $0x0;
	s5 =	sld [smem:$0x3FA9]  }
0x2b: {  	s6 =	sld [smem:$0x3FAA]  }
0x2c: {  	s7 =	sld [smem:$0x3FAB]  }
0x2d: {  	s3 =	simm.s32 $0x108;
	s8 =	sld [smem:$0x3FAC]  }
0x2e: {  	s3 =	simm.s32 @!p0 $0x1082;
	s9 =	sld [smem:$0x3FAD]  }
0x2f: {  	lr =	sadd.s32 s0, s3;
	s0 =	sld [smem:$0x3FA4]  }
0x30: {  	s3 =	sld [smem:$0x3FA7]  }
0x31: {  	[smem:$0x3FB0] =	sst s10  }
0x32: {  	s10 =	sld [smem:$0x3FAE];
	_ =	sdelay $0x3  }
0x33: {  	p0 =	seq.s32 s10, $0x1;
	s10 =	sld [smem:$0x3FB0];
	_ =	sdelay $0x3  }
0x34: {  	[smem:$0x3FB0] =	sst s10  }
0x35: {  	s10 =	sld [smem:$0x3FAF];
	_ =	sdelay $0x3  }
0x36: {  	p1 =	seq.s32 s10, $0x1;
	s10 =	sld [smem:$0x3FB0];
	_ =	sdelay $0x3  }
0x37: {  	[smem:$0x3FB0] =	sst s10  }
0x38: {  	s10 =	sld [smem:$0x3FB1]  }
0x39: {  	_ = 	snop;
	(pc) =	sbr.ind lr, $3  }
0x3a: {  	_ = 	snop  }
0x3b: {  	_ = 	snop  }
0x3c: {  	p2 =	seq.s32 s10, $0x1;
	s10 =	sld [smem:$0x3FB0]  }
0x3d: {  	_ =	shalt  }
0x3e: {  	_ =	shalt  }
0x3f: {  	_ =	shalt  }
0x40: {  	_ =	shalt  }
0x41: {  	_ =	shalt  }
0x42: {  	_ =	shalt  }
0x43: {  	_ =	shalt  }
0x44: {  	_ =	shalt  }
0x45: {  	_ =	shalt  }
0x46: {  	_ =	shalt  }
0x47: {  	_ =	shalt  }
0x48: {  	_ =	shalt  }
0x49: {  	_ =	shalt  }
0x4a: {  	_ =	shalt  }
0x4b: {  	_ =	shalt  }
0x4c: {  	_ =	shalt  }
0x4d: {  	_ =	shalt  }
0x4e: {  	_ =	shalt  }
0x4f: {  	_ =	shalt  }
0x50: {  	_ =	shalt  }
0x51: {  	_ =	shalt  }
0x52: {  	_ =	shalt  }
0x53: {  	_ =	shalt  }
0x54: {  	_ =	shalt  }
0x55: {  	_ =	shalt  }
0x56: {  	_ =	shalt  }
0x57: {  	_ =	shalt  }
0x58: {  	_ =	shalt  }
0x59: {  	_ =	shalt  }
0x5a: {  	_ =	shalt  }
0x5b: {  	_ =	shalt  }
0x5c: {  	_ =	shalt  }
0x5d: {  	_ =	shalt  }
0x5e: {  	_ =	shalt  }
0x5f: {  	_ =	shalt  }
0x60: {  	_ =	shalt  }
0x61: {  	_ =	shalt  }
0x62: {  	_ =	shalt  }
0x63: {  	_ =	shalt  }
0x64: {  	_ =	shalt  }
0x65: {  	_ =	shalt  }
0x66: {  	_ =	shalt  }
0x67: {  	_ =	shalt  }
0x68: {  	_ =	shalt  }
0x69: {  	_ =	shalt  }
0x6a: {  	_ =	shalt  }
0x6b: {  	_ =	shalt  }
0x6c: {  	_ =	shalt  }
0x6d: {  	_ =	shalt  }
0x6e: {  	_ =	shalt  }
0x6f: {  	_ =	shalt  }
0x70: {  	_ =	shalt  }
0x71: {  	_ =	shalt  }
0x72: {  	_ =	shalt  }
0x73: {  	_ =	shalt  }
0x74: {  	_ =	shalt  }
0x75: {  	_ =	shalt  }
0x76: {  	_ =	shalt  }
0x77: {  	_ =	shalt  }
0x78: {  	_ =	shalt  }
0x79: {  	_ =	shalt  }
0x7a: {  	_ =	shalt  }
0x7b: {  	_ =	shalt  }
0x7c: {  	_ =	shalt  }
0x7d: {  	_ =	shalt  }
0x7e: {  	_ =	shalt  }
0x7f: {  	_ =	shalt  }
0x80: {  	_ =	shalt  }
0x81: {  	_ =	shalt  }
0x82: {  	_ =	shalt  }
0x83: {  	_ =	shalt  }
0x84: {  	_ =	shalt  }
0x85: {  	_ =	shalt  }
0x86: {  	_ =	shalt  }
0x87: {  	_ =	shalt  }
.Lfunc_end0:
.L_simem_size_0:
called_computation.1_lowered:
.L_overlay_start_0:
0x88: {  	s2 =	sld [smem:$0x3FD9]  }
0x89: {  	s3 =	sld [smem:$0x3FFE];
	_ =	sdelay $0x1  }
0x8a: {  	s1 =	srdreg.scid  }
0x8b: {  	s0 =	sand.u32 $0x1, s1  }
0x8c: {  	s14 =	sshll.u32 s0, $0xA;
	s2 =	sadd.s32 s3, s2  }
0x8d: {  	s2 =	sadd.s32 s2, s14  }
0x8e: {  	[smem:$0x3FBC] =	sst s2  }
0x8f: {  	_ = 	snop  }
0x90: {  	s2 =	sld [smem:$0x3FD0];
	_ =	sdelay $0x1  }
0x91: {  	s15 =	sld [smem:$0x3FC6]  }
0x92: {  	s5 =	simm.s32 $0xB;
	s6 =	simm.s32 $0x10;
	s4 =	sld [smem:$0x3FC5]  }
0x93: {  	[smem:s6], [sflag:s5] =	dma.local [hbm:s2], $0x1  }
0x94: {  	_ =	swait.eq [sflag:s5], $0x1  }
0x95: {  	[sflag:s5] =	ssyncset.done $0x0  }
0x96: {  	[sflag:s5] =	ssyncadd.s32 $0xFFFFFFFF  }
0x97: {  	s16 =	sld [smem:$0x11];
	(tm) =	ssettm $0x1  }
0x98: {  	s17 =	sld [smem:$0x3FFB];
	_ =	sdelay $0x3  }
0x99: {  	_ =	strace s17  }
0x9a: {  	s5 =	sld [smem:$0x3FFC];
	_ =	sdelay $0x3  }
0x9b: {  	_ =	strace s5  }
0x9c: {  	s5 =	sld [smem:$0x3FFD];
	_ =	sdelay $0x3  }
0x9d: {  	_ =	strace s5  }
0x9e: {  	_ =	strace $0x8FFFFFFF  }
0x9f: {  	s18 =	sld [smem:$0x3FDB];
	_ =	sdelay $0x1  }
0xa0: {  	s19 =	simm.s32 $_scs_section_size  }
0xa1: {  	s7 =	simm.s32 $_size__tile_overlayer_lowered;
	s8 =	simm.s32 $_tile_overlayer_lowered  }
0xa2: {  	s22 =	simm.s32 $0x1BFF;
	s21 =	sshll.u32 s8, $0x1;
	s5 =	sadd.s32 s19, s18  }
0xa3: {  	s9 =	simm.s32 $0x0;
	s20 =	sshll.u32 s7, $0x1;
	s7 =	sadd.s32 s21, s5  }
0xa4: {  	[timem:s9], [sflag:s22] =	dma.local [hbm:s7], s20  }
0xa5: {  	_ =	swait.ge [sflag:s22], s20  }
0xa6: {  	s6 =	ssub.s32 $0x0, s20;
	[sflag:s22] =	ssyncset.done $0x0  }
0xa7: {  	[sflag:s22] =	ssyncadd.s32 s6;
	_ =	sdelay $0x1  }
0xa8: {  	s23 =	simm.s32 $0x1B8B  }
0xa9: {  	_ =	swait.ge [sflag:s23], $0x1  }
0xaa: {  	[sflag:s23] =	ssyncset.done $0x0  }
0xab: {  	s25 =	simm.s32 $0x1B8E;
	s24 =	sld [smem:$0x3FFE];
	[sflag:s23] =	ssyncadd.s32 $0xFFFFFFFF  }
0xac: {  	s26 =	simm.s32 $execute0_lowered;
	[smem:$0x3FD2] =	sst s25  }
0xad: {  	s7 =	sshll.u32 s26, $0x1;
	_ =	strace $0x80000046;
	[dreg:$0x1] =	wrdreg $0xFFFFFFFF  }
0xae: {  	s28 =	simm.s32 $_size_execute0_lowered;
	s5 =	sadd.s32 s5, s7;
	[dreg:$0x0] =	wrdreg $0x0  }
0xaf: {  	s7 =	sshll.u32 s28, $0x1;
	[dreg:$0x2] =	wrdreg s5  }
0xb0: {  	[dreg:$0x3] =	wrdreg s7  }
0xb1: {  	[dreg:$0x4] =	wrdreg $0xC0  }
0xb2: {  	_ =	task [dreg:s9], $0x5FFFF  }
0xb3: {  	[dreg:$0x1] =	wrdreg $0xFFFFFFFF  }
0xb4: {  	[dreg:$0x0] =	wrdreg $0x60  }
0xb5: {  	[dreg:$0x2] =	wrdreg s4  }
0xb6: {  	[dreg:$0x3] =	wrdreg s15  }
0xb7: {  	[dreg:$0x4] =	wrdreg s24  }
0xb8: {  	[dreg:$0x5] =	wrdreg s16  }
0xb9: {  	[dreg:$0x6] =	wrdreg $0xA  }
0xba: {  	_ =	task.clear_ibuf [dreg:s9], $0x7FFFF;
	_ =	strace $0x90000046  }
0xbb: {  	s29 =	simm.s32 $0xA;
	_ =	strace $0x80000048  }
0xbc: {  	_ =	swait.ge [sflag:s29], $0x1  }
0xbd: {  	[sflag:s29] =	ssyncadd.s32 $0xFFFFFFFF  }
0xbe: {  	_ =	strace $0x90000048  }
0xbf: {  	_ =	sfence  }
0xc0: {  	s30 =	sld [smem:$0x0];
	_ =	sdelay $0x2  }
0xc1: {  	s31 =	sshll.u32 s1, $0xD;
	s1 =	sshrl.u32 s1, $0x2  }
0xc2: {  	s3 =	sand.u32 $0x4000, s31;
	s1 =	sadd.s32 s1, s30  }
0xc3: {  	s0 =	sor.u32 s3, s0;
	s1 =	sshll.u32 s1, $0x11  }
0xc4: {  	s0 =	sor.u32 s1, s0  }
0xc5: {  	s0 =	sadd.s32 $0x8F2B, s0  }
0xc6: {  	[sflag:s0] =	ssyncadd.remote.s32 $0x1  }
0xc7: {  	_ =	sfence.sel $0xFFFF  }
0xc8: {  	[dreg:$0x0] =	wrdreg $0xFFFFFFFF;
	(pc) =	sbr.abs _section_cstart, $3  }
0xc9: {  	[dreg:$0x1] =	wrdreg $0xFFFFFFFF  }
0xca: {  	_ =	task.clear_ibuf [dreg:s9], $0x2FFFF;
	_ =	strace $0x9FFFFFFF  }
0xcb: {  	(tm) =	ssettm $0x7FFFFFFF  }
tec
execute0_lowered:
.L_overlay_start_1:
0x0: {  	(tag) =	ssettag $0x1  }
0x1: {  	s1 =	rddreg [dreg:$0x0]  }
0x2: {  	s2 =	rddreg [dreg:$0x1]  }
0x3: {  	s3 =	srdreg.scid;
	s5 =	rddreg [dreg:$0x2]  }
0x4: {  	s0 =	stileid.u32;
	s7 =	rddreg [dreg:$0x3];
	s4 =	simm.s32 $0x0  }
0x5: {  	s18 =	simm.s32 $0x1;
	s19 =	simm.s32 $0x2;
	s20 =	simm.s32 $0x3  }
0x6: {  	s21 =	simm.s32 $0x4;
	s22 =	simm.s32 $0x1800;
	s15 =	smul.u32 $0x30000, s0  }
0x7: {  	s23 =	simm.s32 $0x1880;
	s9 =	sand.u32 $0x1, s3;
	s28 =	smul.u32 $0x180000, s0  }
0x8: {  	s24 =	sshll.u32 s0, $0x1;
	s3 =	rddreg [dreg:$0x4];
	s16 =	smul.u32 $0x18000, s9  }
0x9: {  	[smem:$0x7FF] =	sst s4;
	s8 =	sor.u32 s9, s24;
	s17 =	smul.u32 $0xC0000, s9  }
0xa: {  	s13 =	sadd.s32 $0xA200, s5;
	_ =	strace $0x80000047;
	s6 =	smul.u32 $0x300, s8  }
0xb: {  	s11 =	ssub.s32 $0x2, s9;
	s24 =	simm.s32 $0x0;
	s12 =	smul.u32 $0xC0000, s8  }
0xc: {  	s10 =	sshll.u32 s8, $0x5;
	s25 =	sshrl.u32 s11, $0x1;
	s14 =	smul.u32 $0x18000, s8  }
0xd: {  	s8 =	sshll.u32 s8, $0xC;
	s29 =	sadd.s32 s15, s13;
	s10 =	sadd.s32 s10, s5  }
0xe: {  	s11 =	ssub.s32 s11, s25;
	s7 =	sadd.s32 s7, s8;
	s15 =	sadd.s32 s16, s29  }
0xf: {  	s30 =	sadd.s32 s17, s28;
	s16 =	simm.s32 $0x1900;
	s17 =	simm.s32 $0x5900  }
0x10: {  	s6 =	sadd.s32 s6, s5;
	s26 =	sshrl.u32 s12, $0x3;
	s8 =	sadd.s32 $0x800, s7  }
0x11: {  	s9 =	smax.u32 s11, $0x1;
	s14 =	sadd.s32 s14, s13;
	s12 =	sadd.s32 $0x800, s15  }
0x12: {  	s31 =	sshrl.u32 s30, $0x3;
	s15 =	simm.s32 $0x80;
	s5 =	sadd.s32 $0x4200, s6  }
0x13: {  	s6 =	sadd.s32 $0x3A00, s10;
	s10 =	sadd.s32 s13, s26;
	s11 =	sadd.s32 $0x17800, s14  }
0x14: {  	s13 =	sadd.s32 s31, s13;
	s14 =	simm.s32 $0x5;
	s10 =	sadd.s32 $0x17000, s10  }
.LBB2_1:
0x15: {  	[tilespmem:s4], [sflag:$0x5] =	stream.linear.gather [hbm4b:s5+s4], $0x1800, $0x38;
	[tilespmem:$0x9900] =	vst v63  }
0x16: {  	_ =	swait.ge [sflag:s14], $0x1800  }
0x17: {  	[sflag:s14] =	ssyncset.done $0x0  }
0x18: {  	[sflag:s14] =	ssyncadd.s32 $0xFFFFE800  }
0x19: {  	[tilespmem:s16], [sflag:$0x1] =	stream.indirect.gather [hbm4b:s1+s15], $0x80, s4, s15, $0xb8;
	[tilespmem:$0x9900] =	vst v63  }
0x1a: {  	_ = 	snop  }
0x1b: {  	[tilespmem:s17], [sflag:$0x2] =	stream.indirect.gather [hbm4b:s1+s15], $0x80, s15, s15, $0xb8;
	[tilespmem:$0x9900] =	vst v63  }
0x1c: {  	_ =	swait.ge [sflag:s18], $0x4000  }
0x1d: {  	[sflag:s18] =	ssyncset.done $0x0  }
0x1e: {  	s25 =	sadd.s32 $0x0, s13;
	[sflag:s18] =	ssyncadd.s32 $0xFFFFC000  }
0x1f: {  	[hbm4b:s25+s4] =	stream.linear.scatter [tilespmem:s16], [sflag:$0x3], $0x4000, $0x38;
	[tilespmem:$0x9900] =	vst v63  }
0x20: {  	_ =	swait.ge [sflag:s19], $0x4000  }
0x21: {  	[sflag:s19] =	ssyncset.done $0x0  }
0x22: {  	s30 =	sadd.s32 $0x0, s12;
	[sflag:s19] =	ssyncadd.s32 $0xFFFFC000  }
0x23: {  	[hbm4b:s30+s4] =	stream.linear.scatter [tilespmem:s17], [sflag:$0x4], $0x4000, $0x38;
	[tilespmem:$0x9900] =	vst v63  }
0x24: {  	_ =	swait.ge [sflag:s20], $0x4000  }
0x25: {  	[sflag:s20] =	ssyncset.done $0x0  }
0x26: {  	s31 =	simm.s32 $0x100;
	[sflag:s20] =	ssyncadd.s32 $0xFFFFC000  }
0x27: {  	[tilespmem:s16], [sflag:$0x1] =	stream.indirect.gather [hbm4b:s1+s15], $0x80, s31, s15, $0xb8;
	[tilespmem:$0x9900] =	vst v63  }
0x28: {  	_ =	swait.ge [sflag:s21], $0x4000  }
0x29: {  	s26 =	simm.s32 $0x1000;
	[sflag:s21] =	ssyncset.done $0x0  }
0x2a: {  	s28 =	simm.s32 $0x280;
	s25 =	simm.s32 $0x180;
	[sflag:s21] =	ssyncadd.s32 $0xFFFFC000  }
.LBB2_2:
0x2b: {  	[tilespmem:s17], [sflag:$0x2] =	stream.indirect.gather [hbm4b:s1+s15], $0x80, s25, s15, $0xb8;
	[tilespmem:$0x9900] =	vst v63  }
0x2c: {  	s29 =	smov.u32 s26;
	s25 =	smov.u32 s28  }
0x2d: {  	p0 =	sne.s32 s26, $0x16000;
	s26 =	sadd.s32 $0x1000, s26;
	_ =	swait.ge [sflag:s18], $0x4000  }
0x2e: {  	[sflag:s18] =	ssyncset.done $0x0  }
0x2f: {  	s30 =	sadd.s32 s29, s13;
	[sflag:s18] =	ssyncadd.s32 $0xFFFFC000  }
0x30: {  	[hbm4b:s30+s4] =	stream.linear.scatter [tilespmem:s16], [sflag:$0x3], $0x4000, $0x38;
	[tilespmem:$0x9900] =	vst v63  }
0x31: {  	_ =	swait.ge [sflag:s19], $0x4000  }
0x32: {  	[sflag:s19] =	ssyncset.done $0x0  }
0x33: {  	s29 =	sadd.s32 s29, s12;
	[sflag:s19] =	ssyncadd.s32 $0xFFFFC000  }
0x34: {  	[hbm4b:s29+s4] =	stream.linear.scatter [tilespmem:s17], [sflag:$0x4], $0x4000, $0x38;
	[tilespmem:$0x9900] =	vst v63  }
0x35: {  	_ =	swait.ge [sflag:s20], $0x4000  }
0x36: {  	[sflag:s20] =	ssyncset.done $0x0  }
.Ltmp0:
0x37: {  	s29 =	sadd.s32 $0xFFFFFF80, s28;
	[sflag:s20] =	ssyncadd.s32 $0xFFFFC000;
	(pc) =	sbr.rel @p0 .LBB2_2-.Ltmp0, $4  }
0x38: {  	[tilespmem:s16], [sflag:$0x1] =	stream.indirect.gather [hbm4b:s1+s15], $0x80, s29, s15, $0xb8;
	[tilespmem:$0x9900] =	vst v63  }
0x39: {  	_ =	swait.ge [sflag:s21], $0x4000  }
0x3a: {  	[sflag:s21] =	ssyncset.done $0x0  }
0x3b: {  	s28 =	sadd.s32 $0x100, s28;
	[sflag:s21] =	ssyncadd.s32 $0xFFFFC000  }
0x3c: {  	[tilespmem:s17], [sflag:$0x2] =	stream.indirect.gather [hbm4b:s1+s15], $0x80, s25, s15, $0xb8;
	[tilespmem:$0x9900] =	vst v63  }
0x3d: {  	_ =	swait.ge [sflag:s18], $0x4000  }
0x3e: {  	[sflag:s18] =	ssyncset.done $0x0  }
0x3f: {  	[sflag:s18] =	ssyncadd.s32 $0xFFFFC000  }
0x40: {  	[hbm4b:s10+s4] =	stream.linear.scatter [tilespmem:s16], [sflag:$0x3], $0x4000, $0x38;
	[tilespmem:$0x9900] =	vst v63  }
0x41: {  	_ =	swait.ge [sflag:s19], $0x4000  }
0x42: {  	[sflag:s19] =	ssyncset.done $0x0  }
0x43: {  	[sflag:s19] =	ssyncadd.s32 $0xFFFFC000  }
0x44: {  	[hbm4b:s11+s4] =	stream.linear.scatter [tilespmem:s17], [sflag:$0x4], $0x4000, $0x38;
	[tilespmem:$0x9900] =	vst v63  }
0x45: {  	_ =	swait.ge [sflag:s20], $0x4000  }
0x46: {  	[sflag:s20] =	ssyncset.done $0x0  }
0x47: {  	[sflag:s20] =	ssyncadd.s32 $0xFFFFC000  }
0x48: {  	_ =	swait.ge [sflag:s21], $0x4000  }
0x49: {  	[sflag:s21] =	ssyncset.done $0x0  }
0x4a: {  	[sflag:s21] =	ssyncadd.s32 $0xFFFFC000  }
0x4b: {  	[tilespmem:s22], [sflag:$0x5] =	stream.linear.gather [hbm4b:s6+s4], $0x100, $0x38;
	[tilespmem:$0x9900] =	vst v63  }
0x4c: {  	_ =	swait.ge [sflag:s14], $0x100  }
0x4d: {  	[sflag:s14] =	ssyncset.done $0x0  }
0x4e: {  	[sflag:s14] =	ssyncadd.s32 $0xFFFFFF00  }
0x4f: {  	[tilespmem:s16], [sflag:$0x1] =	stream.indirect.gather [hbm4b:s2+s15], $0x80, s22, s15, $0xb8;
	[tilespmem:$0x9900] =	vst v63  }
0x50: {  	_ = 	snop  }
0x51: {  	[tilespmem:s17], [sflag:$0x2] =	stream.indirect.gather [hbm4b:s2+s15], $0x80, s23, s15, $0xb8;
	[tilespmem:$0x9900] =	vst v63  }
0x52: {  	_ =	swait.ge [sflag:s18], $0x4000  }
0x53: {  	[sflag:s18] =	ssyncset.done $0x0  }
0x54: {  	[sflag:s18] =	ssyncadd.s32 $0xFFFFC000  }
0x55: {  	[hbm4b:s7+s4] =	stream.linear.scatter [tilespmem:s16], [sflag:$0x3], $0x4000, $0x38;
	[tilespmem:$0x9900] =	vst v63  }
0x56: {  	_ =	swait.ge [sflag:s19], $0x4000  }
0x57: {  	[sflag:s19] =	ssyncset.done $0x0  }
0x58: {  	s24 =	sadd.s32 $0x1, s24;
	[sflag:s19] =	ssyncadd.s32 $0xFFFFC000  }
0x59: {  	[hbm4b:s8+s4] =	stream.linear.scatter [tilespmem:s17], [sflag:$0x4], $0x4000, $0x38;
	[tilespmem:$0x9900] =	vst v63  }
0x5a: {  	p0 =	sne.s32 s24, s9;
	_ =	swait.ge [sflag:s20], $0x4000  }
.Ltmp1:
0x5b: {  	[sflag:s20] =	ssyncset.done $0x0;
	(pc) =	sbr.rel @p0 .LBB2_1-.Ltmp1, $4  }
0x5c: {  	[sflag:s20] =	ssyncadd.s32 $0xFFFFC000  }
0x5d: {  	_ =	swait.ge [sflag:s21], $0x4000  }
0x5e: {  	[sflag:s21] =	ssyncset.done $0x0  }
0x5f: {  	[sflag:s21] =	ssyncadd.s32 $0xFFFFC000  }
0x60: {  	_ =	sfence.sel $0x180000  }
0x61: {  	[bflag:$0x0] =	sbarrier.arrive $0xFFFF  }
0x62: {  	p0 =	sne.s32 s0, $0x0;
	_ =	strace $0x90000047  }
0x63: {  	s0 =	sadd.s32 @!p0 $0x100000, s3;
	[bflag:$0x2] =	sbarrier.arrive $0xFFFF  }
0x64: {  	[sflag:s0] =	ssyncadd.tile.s32 @!p0 $0x1;
	_ =	shalt  }
.Lfunc_end2:
_tile_overlayer_lowered:
.L_overlay_start_2:
0x65: {  	(tag) =	ssettag $0x2  }
0x66: {  	s0 =	rddreg [dreg:$0x0];
	s2 =	stileid.u32  }
0x67: {  	s1 =	rddreg [dreg:$0x1];
	p0 =	sne.s32 s2, $0x0  }
0x68: {  	s3 =	rddreg [dreg:$0x2];
	[bflag:$0x3] =	sbarrier.arrive $0xFFFF;
	s2 =	simm.s32 @!p0 $0x1C05  }
0x69: {  	[timem:s3], [sflag:s2] =	dma.local @!p0 [hbm:s0], s1  }
0x6a: {  	s0 =	simm.s32 @!p0 $0x5  }
0x6b: {  	_ =	swait.ge @!p0 [sflag:s0], s1  }
0x6c: {  	s1 =	ssub.s32 @!p0 $0x0, s1;
	[sflag:s0] =	ssyncset.done @!p0 $0x0  }
0x6d: {  	[sflag:s0] =	ssyncadd.s32 @!p0 s1  }
0x6e: {  	[bflag:$0x3] =	sbarrier.arrive $0xFFFF  }
0x6f: {  	_ =	shalt  }

// kernel: sc_scatter.3.cloned.1.call-start
scs
__scs_entry_jumppad:
0x0: {  	(pc) =	sbr.rel $0x88, $3  }
0x1: {  	(tag) =	ssettag $0x0;
	lr =	simm.s32 $0x1  }
0x2: {  	[smem:$0x3F95] =	sst lr;
	_ =	strace $0xD0000000  }
0x3: {  	_ = 	snop  }
0x4: {  	_ = 	snop  }
0x5: {  	_ = 	snop  }
0x6: {  	_ = 	snop  }
0x7: {  	_ = 	snop  }
__scs_overlays_trampoline_lowered:
0x8: {  	[smem:$0x3FA4] =	sst s0  }
0x9: {  	[smem:$0x3FA5] =	sst s1  }
0xa: {  	[smem:$0x3FA6] =	sst s2  }
0xb: {  	[smem:$0x3FA7] =	sst s3  }
0xc: {  	[smem:$0x3FA8] =	sst s4  }
0xd: {  	[smem:$0x3FA9] =	sst s5  }
0xe: {  	[smem:$0x3FAA] =	sst s6  }
0xf: {  	[smem:$0x3FAB] =	sst s7  }
0x10: {  	[smem:$0x3FAC] =	sst s8  }
0x11: {  	[smem:$0x3FAD] =	sst s9;
	s0 =	simm.s32 @!p0 $0x0  }
0x12: {  	s1 =	sld [smem:$0x3F93];
	s0 =	simm.s32 @p0 $0x1  }
0x13: {  	[smem:$0x3FAE] =	sst s0;
	s0 =	simm.s32 @!p1 $0x0  }
0x14: {  	s2 =	sld [smem:$0x3F92];
	s0 =	simm.s32 @p1 $0x1  }
0x15: {  	[smem:$0x3FAF] =	sst s0;
	s0 =	simm.s32 @!p2 $0x0  }
0x16: {  	s3 =	sld [smem:$0x3FDB];
	s0 =	simm.s32 @p2 $0x1  }
0x17: {  	s4 =	simm.s32 $0x1BF5;
	[smem:$0x3FB1] =	sst s0  }
0x18: {  	s0 =	sld [smem:$0x3F94];
	_ =	swait.ge [sflag:s4], $0x0  }
0x19: {  	s7 =	sld [smem:$0x3F95]  }
0x1a: {  	s8 =	sadd.s32 $0xFFFFE003, lr  }
0x1b: {  	s9 =	sadd.s32 $0xFFFFFEF7, lr;
	s5 =	simm.s32 $0xFFFFFFFF;
	p2 =	slt.u32 s8, $0xFFFFF086  }
0x1c: {  	p1 =	slt.u32 s9, $0xF7A;
	s5 =	simm.s32 @!p2 $0x0  }
0x1d: {  	s5 =	simm.s32 @p1 $0x1;
	p0 =	seq.s32 s7, s2  }
0x1e: {  	s7 =	smul.u32 @!p0 $0xF7A, s2;
	p2 =	seq.s32 @!p0 s5, $0x0  }
0x1f: {  	s9 =	smul.u32 $0xF7A, s1;
	s8 =	simm.s32 @!p0 $0x1BF5;
	p2 =	por !p2, p0  }
0x20: {  	[sflag:s8] =	ssyncset.s32 @!p0 $0xFFFFF086;
	s6 =	sadd.s32 @!p0 s3, s7;
	s7 =	simm.s32 @!p0 $0x108  }
0x21: {  	s3 =	sadd.s32 s3, s9;
	s6 =	sadd.s32 @!p0 $0x88, s6;
	s7 =	simm.s32 @p2 $0x1082  }
0x22: {  	[simem:s7], [sflag:s8] =	dma.local @!p0 [hbm:s6], $0xF7A  }
0x23: {  	s9 =	sor.u32 $0xD0000000, s2;
	s6 =	simm.s32 $0x108;
	_ =	swait.ge @!p0 [sflag:s8], $0x0  }
0x24: {  	s3 =	sadd.s32 $0x88, s3;
	s6 =	simm.s32 @!p1 $0x1082;
	[sflag:s4] =	ssyncset.s32 $0xFFFFF086  }
0x25: {  	[simem:s6], [sflag:s4] =	dma.local [hbm:s3], $0xF7A  }
0x26: {  	[smem:$0x3F95] =	sst s1;
	(tag) =	ssettag s2;
	_ =	strace s9  }
0x27: {  	s1 =	sld [smem:$0x3FA5]  }
0x28: {  	s2 =	sld [smem:$0x3FA6]  }
0x29: {  	s4 =	sld [smem:$0x3FA8]  }
0x2a: {  	p0 =	seq.s32 s5, $0x0;
	s5 =	sld [smem:$0x3FA9]  }
0x2b: {  	s6 =	sld [smem:$0x3FAA]  }
0x2c: {  	s7 =	sld [smem:$0x3FAB]  }
0x2d: {  	s3 =	simm.s32 $0x108;
	s8 =	sld [smem:$0x3FAC]  }
0x2e: {  	s3 =	simm.s32 @!p0 $0x1082;
	s9 =	sld [smem:$0x3FAD]  }
0x2f: {  	lr =	sadd.s32 s0, s3;
	s0 =	sld [smem:$0x3FA4]  }
0x30: {  	s3 =	sld [smem:$0x3FA7]  }
0x31: {  	[smem:$0x3FB0] =	sst s10  }
0x32: {  	s10 =	sld [smem:$0x3FAE];
	_ =	sdelay $0x3  }
0x33: {  	p0 =	seq.s32 s10, $0x1;
	s10 =	sld [smem:$0x3FB0];
	_ =	sdelay $0x3  }
0x34: {  	[smem:$0x3FB0] =	sst s10  }
0x35: {  	s10 =	sld [smem:$0x3FAF];
	_ =	sdelay $0x3  }
0x36: {  	p1 =	seq.s32 s10, $0x1;
	s10 =	sld [smem:$0x3FB0];
	_ =	sdelay $0x3  }
0x37: {  	[smem:$0x3FB0] =	sst s10  }
0x38: {  	s10 =	sld [smem:$0x3FB1]  }
0x39: {  	_ = 	snop;
	(pc) =	sbr.ind lr, $3  }
0x3a: {  	_ = 	snop  }
0x3b: {  	_ = 	snop  }
0x3c: {  	p2 =	seq.s32 s10, $0x1;
	s10 =	sld [smem:$0x3FB0]  }
0x3d: {  	_ =	shalt  }
0x3e: {  	_ =	shalt  }
0x3f: {  	_ =	shalt  }
0x40: {  	_ =	shalt  }
0x41: {  	_ =	shalt  }
0x42: {  	_ =	shalt  }
0x43: {  	_ =	shalt  }
0x44: {  	_ =	shalt  }
0x45: {  	_ =	shalt  }
0x46: {  	_ =	shalt  }
0x47: {  	_ =	shalt  }
0x48: {  	_ =	shalt  }
0x49: {  	_ =	shalt  }
0x4a: {  	_ =	shalt  }
0x4b: {  	_ =	shalt  }
0x4c: {  	_ =	shalt  }
0x4d: {  	_ =	shalt  }
0x4e: {  	_ =	shalt  }
0x4f: {  	_ =	shalt  }
0x50: {  	_ =	shalt  }
0x51: {  	_ =	shalt  }
0x52: {  	_ =	shalt  }
0x53: {  	_ =	shalt  }
0x54: {  	_ =	shalt  }
0x55: {  	_ =	shalt  }
0x56: {  	_ =	shalt  }
0x57: {  	_ =	shalt  }
0x58: {  	_ =	shalt  }
0x59: {  	_ =	shalt  }
0x5a: {  	_ =	shalt  }
0x5b: {  	_ =	shalt  }
0x5c: {  	_ =	shalt  }
0x5d: {  	_ =	shalt  }
0x5e: {  	_ =	shalt  }
0x5f: {  	_ =	shalt  }
0x60: {  	_ =	shalt  }
0x61: {  	_ =	shalt  }
0x62: {  	_ =	shalt  }
0x63: {  	_ =	shalt  }
0x64: {  	_ =	shalt  }
0x65: {  	_ =	shalt  }
0x66: {  	_ =	shalt  }
0x67: {  	_ =	shalt  }
0x68: {  	_ =	shalt  }
0x69: {  	_ =	shalt  }
0x6a: {  	_ =	shalt  }
0x6b: {  	_ =	shalt  }
0x6c: {  	_ =	shalt  }
0x6d: {  	_ =	shalt  }
0x6e: {  	_ =	shalt  }
0x6f: {  	_ =	shalt  }
0x70: {  	_ =	shalt  }
0x71: {  	_ =	shalt  }
0x72: {  	_ =	shalt  }
0x73: {  	_ =	shalt  }
0x74: {  	_ =	shalt  }
0x75: {  	_ =	shalt  }
0x76: {  	_ =	shalt  }
0x77: {  	_ =	shalt  }
0x78: {  	_ =	shalt  }
0x79: {  	_ =	shalt  }
0x7a: {  	_ =	shalt  }
0x7b: {  	_ =	shalt  }
0x7c: {  	_ =	shalt  }
0x7d: {  	_ =	shalt  }
0x7e: {  	_ =	shalt  }
0x7f: {  	_ =	shalt  }
0x80: {  	_ =	shalt  }
0x81: {  	_ =	shalt  }
0x82: {  	_ =	shalt  }
0x83: {  	_ =	shalt  }
0x84: {  	_ =	shalt  }
0x85: {  	_ =	shalt  }
0x86: {  	_ =	shalt  }
0x87: {  	_ =	shalt  }
.Lfunc_end0:
.L_simem_size_0:
called_computation.2_lowered:
.L_overlay_start_0:
0x88: {  	s2 =	sld [smem:$0x3FD9]  }
0x89: {  	s3 =	sld [smem:$0x3FFE];
	_ =	sdelay $0x1  }
0x8a: {  	s1 =	srdreg.scid  }
0x8b: {  	s0 =	sand.u32 $0x1, s1  }
0x8c: {  	s14 =	sshll.u32 s0, $0xA;
	s2 =	sadd.s32 s3, s2  }
0x8d: {  	s2 =	sadd.s32 s2, s14  }
0x8e: {  	[smem:$0x3FBC] =	sst s2  }
0x8f: {  	_ = 	snop  }
0x90: {  	s2 =	sld [smem:$0x3FD0];
	_ =	sdelay $0x2  }
0x91: {  	s4 =	simm.s32 $0xB;
	s5 =	simm.s32 $0x10;
	s15 =	sld [smem:$0x3FC9]  }
0x92: {  	[smem:s5], [sflag:s4] =	dma.local [hbm:s2], $0x1  }
0x93: {  	_ =	swait.eq [sflag:s4], $0x1  }
0x94: {  	[sflag:s4] =	ssyncset.done $0x0  }
0x95: {  	[sflag:s4] =	ssyncadd.s32 $0xFFFFFFFF  }
0x96: {  	s16 =	sld [smem:$0x11];
	(tm) =	ssettm $0x1  }
0x97: {  	s17 =	sld [smem:$0x3FFB];
	_ =	sdelay $0x3  }
0x98: {  	_ =	strace s17  }
0x99: {  	s4 =	sld [smem:$0x3FFC];
	_ =	sdelay $0x3  }
0x9a: {  	_ =	strace s4  }
0x9b: {  	s4 =	sld [smem:$0x3FFD];
	_ =	sdelay $0x3  }
0x9c: {  	_ =	strace s4  }
0x9d: {  	_ =	strace $0x8FFFFFFF  }
0x9e: {  	s18 =	sld [smem:$0x3FDB];
	_ =	sdelay $0x1  }
0x9f: {  	s19 =	simm.s32 $_scs_section_size  }
0xa0: {  	s6 =	simm.s32 $_size__tile_overlayer_lowered;
	s7 =	simm.s32 $_tile_overlayer_lowered  }
0xa1: {  	s22 =	simm.s32 $0x1BFF;
	s21 =	sshll.u32 s7, $0x1;
	s4 =	sadd.s32 s19, s18  }
0xa2: {  	s8 =	simm.s32 $0x0;
	s20 =	sshll.u32 s6, $0x1;
	s6 =	sadd.s32 s21, s4  }
0xa3: {  	[timem:s8], [sflag:s22] =	dma.local [hbm:s6], s20  }
0xa4: {  	_ =	swait.ge [sflag:s22], s20  }
0xa5: {  	s5 =	ssub.s32 $0x0, s20;
	[sflag:s22] =	ssyncset.done $0x0  }
0xa6: {  	[sflag:s22] =	ssyncadd.s32 s5;
	_ =	sdelay $0x1  }
0xa7: {  	s23 =	simm.s32 $0x1B8B  }
0xa8: {  	_ =	swait.ge [sflag:s23], $0x1  }
0xa9: {  	[sflag:s23] =	ssyncset.done $0x0  }
0xaa: {  	s25 =	simm.s32 $0x1B8E;
	s24 =	sld [smem:$0x3FFE];
	[sflag:s23] =	ssyncadd.s32 $0xFFFFFFFF  }
0xab: {  	s26 =	simm.s32 $execute0_lowered;
	[smem:$0x3FD2] =	sst s25  }
0xac: {  	s6 =	sshll.u32 s26, $0x1;
	_ =	strace $0x8000004C;
	[dreg:$0x1] =	wrdreg $0xFFFFFFFF  }
0xad: {  	s28 =	simm.s32 $_size_execute0_lowered;
	s4 =	sadd.s32 s4, s6;
	[dreg:$0x0] =	wrdreg $0x0  }
0xae: {  	s6 =	sshll.u32 s28, $0x1;
	[dreg:$0x2] =	wrdreg s4  }
0xaf: {  	[dreg:$0x3] =	wrdreg s6  }
0xb0: {  	[dreg:$0x4] =	wrdreg $0xC0  }
0xb1: {  	_ =	task [dreg:s8], $0x5FFFF  }
0xb2: {  	[dreg:$0x1] =	wrdreg $0xFFFFFFFF  }
0xb3: {  	[dreg:$0x0] =	wrdreg $0x60  }
0xb4: {  	[dreg:$0x2] =	wrdreg s15  }
0xb5: {  	[dreg:$0x3] =	wrdreg s24  }
0xb6: {  	[dreg:$0x4] =	wrdreg s16  }
0xb7: {  	[dreg:$0x5] =	wrdreg $0x9  }
0xb8: {  	_ =	task.clear_ibuf [dreg:s8], $0x6FFFF;
	_ =	strace $0x9000004C  }
0xb9: {  	s29 =	simm.s32 $0x9;
	_ =	strace $0x8000004E  }
0xba: {  	_ =	swait.ge [sflag:s29], $0x1  }
0xbb: {  	[sflag:s29] =	ssyncadd.s32 $0xFFFFFFFF  }
0xbc: {  	_ =	strace $0x9000004E  }
0xbd: {  	_ =	sfence  }
0xbe: {  	s30 =	sld [smem:$0x0];
	_ =	sdelay $0x2  }
0xbf: {  	s31 =	sshll.u32 s1, $0xD;
	s1 =	sshrl.u32 s1, $0x2  }
0xc0: {  	s3 =	sand.u32 $0x4000, s31;
	s1 =	sadd.s32 s1, s30  }
0xc1: {  	s0 =	sor.u32 s3, s0;
	s1 =	sshll.u32 s1, $0x11  }
0xc2: {  	s0 =	sor.u32 s1, s0  }
0xc3: {  	s0 =	sadd.s32 $0x8F2B, s0  }
0xc4: {  	[sflag:s0] =	ssyncadd.remote.s32 $0x1  }
0xc5: {  	_ =	sfence.sel $0xFFFF  }
0xc6: {  	[dreg:$0x0] =	wrdreg $0xFFFFFFFF;
	(pc) =	sbr.abs _section_cstart, $3  }
0xc7: {  	[dreg:$0x1] =	wrdreg $0xFFFFFFFF  }
0xc8: {  	_ =	task.clear_ibuf [dreg:s8], $0x2FFFF;
	_ =	strace $0x9FFFFFFF  }
0xc9: {  	(tm) =	ssettm $0x7FFFFFFF  }
tec
execute0_lowered:
.L_overlay_start_1:
0x0: {  	(tag) =	ssettag $0x1  }
0x1: {  	s1 =	rddreg [dreg:$0x0]  }
0x2: {  	s4 =	rddreg [dreg:$0x1]  }
0x3: {  	s10 =	rddreg [dreg:$0x2]  }
0x4: {  	s0 =	rddreg [dreg:$0x3];
	s5 =	srdreg.scid  }
0x5: {  	s2 =	stileid.u32;
	s3 =	simm.s32 $0x0;
	s13 =	simm.s32 $0x80  }
0x6: {  	s14 =	simm.s32 $0x4C80;
	s15 =	simm.s32 $0x4080;
	s16 =	simm.s32 $0x8C80  }
0x7: {  	s17 =	simm.s32 $0x1;
	s18 =	simm.s32 $0x2;
	s19 =	simm.s32 $0x3  }
0x8: {  	s21 =	simm.s32 $0x0;
	s11 =	sand.u32 $0x1, s5;
	s30 =	sshll.u32 s2, $0x1  }
0x9: {  	[smem:$0x7FF] =	sst s3;
	s4 =	sadd.s32 $0x3A00, s4;
	s5 =	sadd.s32 $0x186800, s10  }
0xa: {  	s12 =	sshll.u32 s2, $0xC;
	s20 =	sor.u32 s11, s30;
	_ =	strace $0x8000004D  }
0xb: {  	s31 =	ssub.s32 $0x2, s11;
	s11 =	sshll.u32 s11, $0xB;
	s6 =	sshll.u32 s20, $0xB  }
0xc: {  	s7 =	sshrl.u32 s31, $0x1;
	p0 =	sgt.u32 s20, $0xC;
	s9 =	sadd.s32 s6, s10  }
0xd: {  	s7 =	ssub.s32 s31, s7;
	s10 =	sadd.s32 s12, s10;
	s12 =	simm.s32 $0x4000  }
0xe: {  	v1 =	vmov s20;
	p1 =	sne.s32 @p0 s20, $0xD;
	s20 =	simm.s32 $0x4;
	s6 =	sadd.s32 $0x180000, s9  }
0xf: {  	v0 =	vlaneseq.u32;
	s7 =	smax.u32 s7, $0x1;
	s8 =	sadd.s32 $0x160000, s9;
	s9 =	sadd.s32 $0x170000, s9  }
0x10: {  	v2 =	vor.u32 $0x200, v0;
	s10 =	sadd.s32 s11, s10;
	s11 =	simm.s32 $0x5;
	p1 =	por p1, !p0  }
.LBB2_1:
0x11: {  	[tilespmem:s3], [sflag:$0x5] =	stream.linear.gather [hbm4b:s1+s3], $0x4000, $0x38;
	[tilespmem:$0xCC80] =	vst v63  }
0x12: {  	_ =	swait.ge [sflag:s11], $0x4000  }
0x13: {  	[sflag:s11] =	ssyncset.done $0x0  }
0x14: {  	s22 =	simm.s32 $0x4000;
	s23 =	simm.s32 $0x0;
	[sflag:s11] =	ssyncadd.s32 $0xFFFFC000  }
.LBB2_2:
0x15: {  	p2 =	sne.s32 s23, $0xC70  }
.Ltmp0:
0x16: {  	_ = 	snop;
	(pc) =	sbr.rel @p2 .LBB2_2-.Ltmp0, $4  }
0x17: {  	_ = 	snop  }
0x18: {  	v3 =	vor.u32 s23, v0  }
0x19: {  	v3 =	vand.u32 $0x1FF, v3  }
0x1a: {  	s23 =	sadd.s32 $0x10, s23;
	[tilespmem:s22+$0x0] =	vst v3;
	s22 =	sadd.s32 $0x10, s22  }
0x1b: {  	s22 =	simm.s32 $0x0  }
0x1c: {  	s23 =	simm.s32 $0x10;
	s24 =	simm.s32 $0x0;
	v3 =	vld [tilespmem:s22+$0x0]  }
.LBB2_4:
0x1d: {  	p2 =	sne.s32 s23, $0x3FF0;
	_ =	sdelay $0x3  }
0x1e: {  	v4 =	vshrl.u32 v3, $0x7  }
0x1f: {  	v5 =	vshra.s32 v3, $0x5;
	v4 =	vand.u32 $0x1F, v4  }
0x20: {  	v3 =	vand.u32 $0x7F, v3;
	vm0 =	veq.s32 v4, v1;
	v4 =	vand.u32 $0xFFFFFF80, v5  }
0x21: {  	v5 =	vmov s22;
	v3 =	vor.u32 v3, v4  }
0x22: {  	v4 =	vshrl.u32 v5, $0x4  }
.Ltmp1:
0x23: {  	v4 =	vand.u32 $0x200, v4;
	(pc) =	sbr.rel @p2 .LBB2_4-.Ltmp1, $4  }
0x24: {  	v4 =	vadd.s32 s22, v4;
	s22 =	smov.u32 s23  }
0x25: {  	v4 =	vadd.s32 v2, v4  }
0x26: {  	s24 =	sadd.s32 $0x10, s24;
	[tilespmem:v3+s12+$0x0] =	vst.idx.msk vm0, v4  }
0x27: {  	s23 =	sadd.s32 $0x10, s23;
	v3 =	vld [tilespmem:s24+$0x0]  }
0x28: {  	_ =	sdelay $0x3  }
0x29: {  	v4 =	vshrl.u32 v3, $0x7  }
0x2a: {  	v5 =	vshra.s32 v3, $0x5;
	v4 =	vand.u32 $0x1F, v4  }
0x2b: {  	v3 =	vand.u32 $0x7F, v3;
	v61 =	vand.u32 $0xFFFFFF80, v5;
	vm0 =	veq.s32 v4, v1  }
0x2c: {  	v62 =	vmov s22;
	v3 =	vor.u32 v3, v61  }
0x2d: {  	v63 =	vshrl.u32 v62, $0x4  }
0x2e: {  	v4 =	vand.u32 $0x200, v63  }
0x2f: {  	v4 =	vadd.s32 s22, v4  }
0x30: {  	v4 =	vadd.s32 v2, v4  }
0x31: {  	[tilespmem:v3+s12+$0x0] =	vst.idx.msk vm0, v4  }
0x32: {  	[tilespmem:s14], [sflag:$0x1] =	stream.indirect.gather [hbm4b:s4+s13], $0x80, s12, s13, $0xb8;
	[tilespmem:$0xCC80] =	vst v63  }
0x33: {  	_ = 	snop  }
0x34: {  	[tilespmem:s16], [sflag:$0x2] =	stream.indirect.gather [hbm4b:s4+s13], $0x80, s15, s13, $0xb8;
	[tilespmem:$0xCC80] =	vst v63  }
0x35: {  	_ =	swait.ge [sflag:s17], $0x4000  }
0x36: {  	[sflag:s17] =	ssyncset.done $0x0  }
0x37: {  	s30 =	sadd.s32 $0x0, s10;
	[sflag:s17] =	ssyncadd.s32 $0xFFFFC000  }
0x38: {  	[hbm4b:s30+s3] =	stream.linear.scatter [tilespmem:s14], [sflag:$0x3], $0x4000, $0x38;
	[tilespmem:$0xCC80] =	vst v63  }
0x39: {  	_ =	swait.ge [sflag:s18], $0x4000  }
0x3a: {  	[sflag:s18] =	ssyncset.done $0x0  }
0x3b: {  	s22 =	sadd.s32 $0x10000, s30;
	[sflag:s18] =	ssyncadd.s32 $0xFFFFC000  }
0x3c: {  	[hbm4b:s22+s3] =	stream.linear.scatter [tilespmem:s16], [sflag:$0x4], $0x4000, $0x38;
	[tilespmem:$0xCC80] =	vst v63  }
0x3d: {  	_ =	swait.ge [sflag:s19], $0x4000  }
0x3e: {  	[sflag:s19] =	ssyncset.done $0x0  }
0x3f: {  	s31 =	simm.s32 $0x4100;
	[sflag:s19] =	ssyncadd.s32 $0xFFFFC000  }
0x40: {  	[tilespmem:s14], [sflag:$0x1] =	stream.indirect.gather [hbm4b:s4+s13], $0x80, s31, s13, $0xb8;
	[tilespmem:$0xCC80] =	vst v63  }
0x41: {  	_ =	swait.ge [sflag:s20], $0x4000  }
0x42: {  	s23 =	simm.s32 $0x20000;
	[sflag:s20] =	ssyncset.done $0x0  }
0x43: {  	s24 =	simm.s32 $0x4280;
	s22 =	simm.s32 $0x4180;
	[sflag:s20] =	ssyncadd.s32 $0xFFFFC000  }
.LBB2_6:
0x44: {  	[tilespmem:s16], [sflag:$0x2] =	stream.indirect.gather [hbm4b:s4+s13], $0x80, s22, s13, $0xb8;
	[tilespmem:$0xCC80] =	vst v63  }
0x45: {  	s25 =	smov.u32 s23;
	s22 =	smov.u32 s24  }
0x46: {  	p2 =	sne.s32 s23, $0x140000;
	s23 =	sadd.s32 $0x20000, s23;
	_ =	swait.ge [sflag:s17], $0x4000  }
0x47: {  	[sflag:s17] =	ssyncset.done $0x0  }
0x48: {  	s25 =	sadd.s32 s25, s10;
	[sflag:s17] =	ssyncadd.s32 $0xFFFFC000  }
0x49: {  	[hbm4b:s25+s3] =	stream.linear.scatter [tilespmem:s14], [sflag:$0x3], $0x4000, $0x38;
	[tilespmem:$0xCC80] =	vst v63  }
0x4a: {  	_ =	swait.ge [sflag:s18], $0x4000  }
0x4b: {  	[sflag:s18] =	ssyncset.done $0x0  }
0x4c: {  	s25 =	sadd.s32 $0x10000, s25;
	[sflag:s18] =	ssyncadd.s32 $0xFFFFC000  }
0x4d: {  	[hbm4b:s25+s3] =	stream.linear.scatter [tilespmem:s16], [sflag:$0x4], $0x4000, $0x38;
	[tilespmem:$0xCC80] =	vst v63  }
0x4e: {  	_ =	swait.ge [sflag:s19], $0x4000  }
0x4f: {  	[sflag:s19] =	ssyncset.done $0x0  }
.Ltmp2:
0x50: {  	s25 =	sadd.s32 $0xFFFFFF80, s24;
	[sflag:s19] =	ssyncadd.s32 $0xFFFFC000;
	(pc) =	sbr.rel @p2 .LBB2_6-.Ltmp2, $4  }
0x51: {  	[tilespmem:s14], [sflag:$0x1] =	stream.indirect.gather [hbm4b:s4+s13], $0x80, s25, s13, $0xb8;
	[tilespmem:$0xCC80] =	vst v63  }
0x52: {  	_ =	swait.ge [sflag:s20], $0x4000  }
0x53: {  	[sflag:s20] =	ssyncset.done $0x0  }
0x54: {  	s24 =	sadd.s32 $0x100, s24;
	[sflag:s20] =	ssyncadd.s32 $0xFFFFC000  }
0x55: {  	[tilespmem:s16], [sflag:$0x2] =	stream.indirect.gather [hbm4b:s4+s13], $0x80, s22, s13, $0xb8;
	[tilespmem:$0xCC80] =	vst v63  }
0x56: {  	_ =	swait.ge [sflag:s17], $0x4000  }
0x57: {  	[sflag:s17] =	ssyncset.done $0x0  }
0x58: {  	[sflag:s17] =	ssyncadd.s32 $0xFFFFC000  }
0x59: {  	[hbm4b:s8+s3] =	stream.linear.scatter [tilespmem:s14], [sflag:$0x3], $0x4000, $0x38;
	[tilespmem:$0xCC80] =	vst v63  }
0x5a: {  	_ =	swait.ge [sflag:s18], $0x4000  }
0x5b: {  	[sflag:s18] =	ssyncset.done $0x0  }
0x5c: {  	[sflag:s18] =	ssyncadd.s32 $0xFFFFC000  }
0x5d: {  	[hbm4b:s9+s3] =	stream.linear.scatter [tilespmem:s16], [sflag:$0x4], $0x4000, $0x38;
	[tilespmem:$0xCC80] =	vst v63  }
0x5e: {  	_ =	swait.ge [sflag:s19], $0x4000  }
0x5f: {  	[sflag:s19] =	ssyncset.done $0x0  }
0x60: {  	[sflag:s19] =	ssyncadd.s32 $0xFFFFC000  }
0x61: {  	_ =	swait.ge [sflag:s20], $0x4000  }
0x62: {  	s22 =	simm.s32 @!p1 $0x20;
	[sflag:s20] =	ssyncset.done $0x0  }
0x63: {  	s23 =	simm.s32 @!p1 $0x4C00;
	s24 =	simm.s32 @!p1 $0x4C80;
	[sflag:s20] =	ssyncadd.s32 $0xFFFFC000  }
0x64: {  	[tilespmem:s24], [sflag:$0x1] =	stream.indirect.gather @!p1 [hbm4b:s4+s22], $0x80, s23, s22, $0xb8;
	[tilespmem:$0xCC80] =	vst v63  }
0x65: {  	s22 =	simm.s32 @!p1 $0x1  }
0x66: {  	_ =	swait.ge @!p1 [sflag:s22], $0x1000  }
0x67: {  	[sflag:s22] =	ssyncset.done @!p1 $0x0  }
0x68: {  	[sflag:s22] =	ssyncadd.s32 @!p1 $0xFFFFF000;
	s22 =	simm.s32 @!p1 $0x0  }
0x69: {  	[hbm4b:s5+s22] =	stream.linear.scatter @!p1 [tilespmem:s24], [sflag:$0x5], $0x1000, $0x38;
	[tilespmem:$0xCC80] =	vst v63  }
0x6a: {  	s22 =	simm.s32 @!p1 $0x5  }
0x6b: {  	_ =	swait.ge @!p1 [sflag:s22], $0x1000  }
0x6c: {  	s23 =	simm.s32 @!p0 $0x4C00;
	[sflag:s22] =	ssyncset.done @!p1 $0x0  }
0x6d: {  	s24 =	simm.s32 @!p0 $0x4C80;
	[sflag:s22] =	ssyncadd.s32 @!p1 $0xFFFFF000;
	s22 =	simm.s32 @!p0 $0x80  }
0x6e: {  	[tilespmem:s24], [sflag:$0x1] =	stream.indirect.gather @!p0 [hbm4b:s4+s22], $0x80, s23, s22, $0xb8;
	[tilespmem:$0xCC80] =	vst v63  }
0x6f: {  	s22 =	simm.s32 @!p0 $0x1  }
0x70: {  	_ =	swait.ge @!p0 [sflag:s22], $0x4000  }
0x71: {  	s21 =	sadd.s32 $0x1, s21;
	[sflag:s22] =	ssyncset.done @!p0 $0x0  }
0x72: {  	p2 =	sne.s32 s21, s7;
	[sflag:s22] =	ssyncadd.s32 @!p0 $0xFFFFC000;
	s22 =	simm.s32 @!p0 $0x0  }
0x73: {  	[hbm4b:s6+s22] =	stream.linear.scatter @!p0 [tilespmem:s24], [sflag:$0x5], $0x4000, $0x38;
	[tilespmem:$0xCC80] =	vst v63  }
.Ltmp3:
0x74: {  	_ = 	snop;
	(pc) =	sbr.rel @p2 .LBB2_1-.Ltmp3, $4  }
0x75: {  	s22 =	simm.s32 @!p0 $0x5  }
0x76: {  	_ =	swait.ge @!p0 [sflag:s22], $0x4000  }
0x77: {  	[sflag:s22] =	ssyncset.done @!p0 $0x0  }
0x78: {  	[sflag:s22] =	ssyncadd.s32 @!p0 $0xFFFFC000  }
0x79: {  	_ =	sfence.sel $0x180000  }
0x7a: {  	[bflag:$0x0] =	sbarrier.arrive $0xFFFF  }
0x7b: {  	p0 =	sne.s32 s2, $0x0;
	_ =	strace $0x9000004D  }
0x7c: {  	s0 =	sadd.s32 @!p0 $0x100000, s0;
	[bflag:$0x2] =	sbarrier.arrive $0xFFFF  }
0x7d: {  	[sflag:s0] =	ssyncadd.tile.s32 @!p0 $0x1;
	_ =	shalt  }
.Lfunc_end2:
_tile_overlayer_lowered:
.L_overlay_start_2:
0x7e: {  	(tag) =	ssettag $0x2  }
0x7f: {  	s0 =	rddreg [dreg:$0x0];
	s2 =	stileid.u32  }
0x80: {  	s1 =	rddreg [dreg:$0x1];
	p0 =	sne.s32 s2, $0x0  }
0x81: {  	s3 =	rddreg [dreg:$0x2];
	[bflag:$0x3] =	sbarrier.arrive $0xFFFF;
	s2 =	simm.s32 @!p0 $0x1C05  }
0x82: {  	[timem:s3], [sflag:s2] =	dma.local @!p0 [hbm:s0], s1  }
0x83: {  	s0 =	simm.s32 @!p0 $0x5  }
0x84: {  	_ =	swait.ge @!p0 [sflag:s0], s1  }
0x85: {  	s1 =	ssub.s32 @!p0 $0x0, s1;
	[sflag:s0] =	ssyncset.done @!p0 $0x0  }
0x86: {  	[sflag:s0] =	ssyncadd.s32 @!p0 s1  }
0x87: {  	[bflag:$0x3] =	sbarrier.arrive $0xFFFF  }
0x88: {  	_ =	shalt  }

</sc_bundles>
